<compile_context>
chip_gen: v7x
topology: tpu7x:2x2x1
jax: 0.10.2.dev20260603
libtpu: 0.0.44.dev20260713+nightly
codegen_flags: <defaults>
</compile_context>

<pallas_src>
import functools

import jax
import jax.numpy as jnp
from jax import lax
from jax.experimental import pallas as pl
from jax.experimental.pallas import tpu as pltpu
from jax.experimental.pallas import tpu_sc as plsc

_B = 16384
_WIDE = 1000
_NCAT = 26
_NCONT = 13
_VOCAB = 100000
_EDIM = 16

_NC = 2
_NS = 16
_NW = _NC * _NS

_T = _NCAT * _EDIM
_TPW = _T // _NW
_IC = 2048
_NIC = _B // _IC


def _sc_gather_body(table_hbm, idx_hbm, out_hbm, row_v, idx_c0, idx_c1,
                    ostage, sem, isem):
    wid = lax.axis_index("s") * _NC + lax.axis_index("c")
    idx_cs = (idx_c0, idx_c1)

    def row_body(r, _):
        t = wid * _TPW + r
        j = t // _EDIM
        pltpu.sync_copy(table_hbm.at[t], row_v)
        pltpu.sync_copy(idx_hbm.at[j, pl.ds(0, _IC)], idx_c0)
        for cb in range(_NIC):
            idx_c = idx_cs[cb % 2]
            cp = None
            if cb + 1 < _NIC:
                cp = pltpu.async_copy(
                    idx_hbm.at[j, pl.ds((cb + 1) * _IC, _IC)],
                    idx_cs[(cb + 1) % 2], isem)

            def gather_body(g, _, idx_c=idx_c, cb=cb):
                idxv = idx_c[pl.ds(g * 16, 16)]
                ostage[pl.ds(cb * _IC + g * 16, 16)] = plsc.load_gather(
                    row_v, [idxv])
                return 0
            lax.fori_loop(0, _IC // 16, gather_body, 0, unroll=8)
            if cp is not None:
                cp.wait()
        pltpu.async_copy(ostage, out_hbm.at[t], sem).wait()
        return 0
    lax.fori_loop(0, _TPW, row_body, 0)


@functools.cache
def _sc_gather():
    return functools.partial(
        pl.kernel,
        out_type=jax.ShapeDtypeStruct((_T, _B), jnp.float32),
        mesh=plsc.VectorSubcoreMesh(core_axis_name="c", subcore_axis_name="s"),
        compiler_params=pltpu.CompilerParams(needs_layout_passes=False),
        scratch_types=[
            pltpu.VMEM((_VOCAB,), jnp.float32),
            pltpu.VMEM((_IC,), jnp.int32),
            pltpu.VMEM((_IC,), jnp.int32),
            pltpu.VMEM((_B,), jnp.float32),
            pltpu.SemaphoreType.DMA,
            pltpu.SemaphoreType.DMA,
        ],
    )(_sc_gather_body)


_TB = 2048


def _wide_body(xw_ref, wow_ref, out_ref):
    out_ref[...] = jnp.dot(xw_ref[...], wow_ref[...],
                           preferred_element_type=jnp.float32)


def _wide_call(X_w, Wo_w):
    grid = _B // _TB
    return pl.pallas_call(
        _wide_body,
        grid=(grid,),
        in_specs=[
            pl.BlockSpec((_TB, _WIDE), lambda i: (i, 0)),
            pl.BlockSpec((_WIDE, 1), lambda i: (0, 0)),
        ],
        out_specs=pl.BlockSpec((_TB, 1), lambda i: (i, 0)),
        out_shape=jax.ShapeDtypeStruct((_B, 1), jnp.float32),
        compiler_params=pltpu.CompilerParams(
            dimension_semantics=("arbitrary",)),
    )(X_w, Wo_w)


def _mlp_body(deepT_ref, cont_ref, wide_ref, w1a_ref, w1b_ref, b1_ref,
              w2_ref, b2_ref, w3_ref, b3_ref, wod_ref, bo_ref,
              out_ref):
    x = lax.dot_general(deepT_ref[...], w1a_ref[...],
                        (((0,), (0,)), ((), ())),
                        preferred_element_type=jnp.float32)
    x = x + jnp.dot(cont_ref[...], w1b_ref[...],
                    preferred_element_type=jnp.float32)
    x = jax.nn.relu(x + b1_ref[...])
    x = jax.nn.relu(jnp.dot(x, w2_ref[...],
                            preferred_element_type=jnp.float32) + b2_ref[...])
    x = jax.nn.relu(jnp.dot(x, w3_ref[...],
                            preferred_element_type=jnp.float32) + b3_ref[...])
    acc = jnp.dot(x, wod_ref[...], preferred_element_type=jnp.float32)
    out_ref[...] = jax.nn.sigmoid(acc + wide_ref[...] + bo_ref[...])


def _mlp_call(deepT, cont, wide, W1a, W1b, b1, W2, b2, W3, b3, Wo_d, bo):
    h1, h2, h3 = 256, 128, 64
    grid = _B // _TB
    full = lambda shape: pl.BlockSpec(shape, lambda i: (0,) * len(shape))
    return pl.pallas_call(
        _mlp_body,
        grid=(grid,),
        in_specs=[
            pl.BlockSpec((_T, _TB), lambda i: (0, i)),
            pl.BlockSpec((_TB, _NCONT), lambda i: (i, 0)),
            pl.BlockSpec((_TB, 1), lambda i: (i, 0)),
            full((_T, h1)),
            full((_NCONT, h1)),
            full((1, h1)),
            full((h1, h2)),
            full((1, h2)),
            full((h2, h3)),
            full((1, h3)),
            full((h3, 1)),
            full((1, 1)),
        ],
        out_specs=pl.BlockSpec((_TB, 1), lambda i: (i, 0)),
        out_shape=jax.ShapeDtypeStruct((_B, 1), jnp.float32),
        compiler_params=pltpu.CompilerParams(
            dimension_semantics=("arbitrary",)),
    )(deepT, cont, wide, W1a, W1b, b1, W2, b2, W3, b3, Wo_d, bo)


@jax.jit
def kernel(X_w, X_d, emb, W1, b1, W2, b2, W3, b3, Wo, bo):
    table_t = emb.transpose(0, 2, 1).reshape(_T, _VOCAB)
    idx_t = X_d[:, :_NCAT].T
    deepT = _sc_gather()(table_t, idx_t)
    wide = _wide_call(X_w, Wo[64:])
    cont = X_d[:, _NCAT:].astype(jnp.float32)
    out = _mlp_call(
        deepT, cont, wide,
        W1[:_T], W1[_T:],
        b1.reshape(1, -1), W2, b2.reshape(1, -1), W3, b3.reshape(1, -1),
        Wo[:64], bo.reshape(1, 1))
    return out

# --- scband reference (transcript-rebuilt; emitter-appended) ---
"""Pipeline reference for scband-wide-deep-69698729279503 (READ-ONLY COPY).

The authoritative reference and input builder live on the scoring server;
editing this copy changes nothing except your own understanding.
"""

import jax, jax.numpy as jnp
import numpy as np

B = 16384
WIDE = 1000
NCAT = 26
NCONT = 13
VOCAB = 100000
EDIM = 16
H = [256, 128, 64]
DIN = NCAT * EDIM + NCONT  # 429


def setup_inputs(seed: int = 0) -> dict:
    key = jax.random.key(seed)
    ks = jax.random.split(key, 12)
    X_w = jax.random.normal(ks[0], (B, WIDE), dtype=jnp.float32)
    X_d = jax.random.randint(ks[1], (B, NCAT + NCONT), 0, VOCAB, dtype=jnp.int32)
    emb = jax.random.normal(ks[2], (NCAT, VOCAB, EDIM), dtype=jnp.float32) * 0.01
    W1 = jax.random.normal(ks[3], (DIN, H[0]), dtype=jnp.float32) * 0.05
    b1 = jnp.zeros((H[0],), dtype=jnp.float32)
    W2 = jax.random.normal(ks[4], (H[0], H[1]), dtype=jnp.float32) * 0.05
    b2 = jnp.zeros((H[1],), dtype=jnp.float32)
    W3 = jax.random.normal(ks[5], (H[1], H[2]), dtype=jnp.float32) * 0.05
    b3 = jnp.zeros((H[2],), dtype=jnp.float32)
    Wo = jax.random.normal(ks[6], (H[2] + WIDE, 1), dtype=jnp.float32) * 0.05
    bo = jnp.zeros((1,), dtype=jnp.float32)
    return {"X_w": X_w, "X_d": X_d, "emb": emb, "W1": W1, "b1": b1,
            "W2": W2, "b2": b2, "W3": W3, "b3": b3, "Wo": Wo, "bo": bo}


def reference(X_w, X_d, emb, W1, b1, W2, b2, W3, b3, Wo, bo):
    # per-column embedding lookups (26 gathers from 100000x16 tables)
    embs = [jnp.take(emb[j], X_d[:, j], axis=0) for j in range(NCAT)]
    cont = X_d[:, NCAT:].astype(jnp.float32)
    deep_inp = jnp.concatenate(embs + [cont], axis=1)
    x = jax.nn.relu(deep_inp @ W1 + b1)
    x = jax.nn.relu(x @ W2 + b2)
    x = jax.nn.relu(x @ W3 + b3)
    wide_deep = jnp.concatenate([x, X_w], axis=1)
    return jax.nn.sigmoid(wide_deep @ Wo + bo)

if __name__ == "__main__":
    import jax
    _d = setup_inputs()
    print(jax.jit(kernel)(*tuple(_d.values())))

</pallas_src>

<mosaic_0001>
#map = affine_map<(d0, d1) -> (0, 0)>
module attributes {stable_mosaic.version = 14 : i64} {
  func.func @_sc_gather_body(%arg0: i32, %arg1: i32, %arg2: memref<416x100000xf32, #tpu.memory_space<hbm>>, %arg3: memref<26x16384xi32, #tpu.memory_space<hbm>>, %arg4: memref<416x16384xf32, #tpu.memory_space<hbm>>, %arg5: memref<100000xf32, #tpu.memory_space<vmem>>, %arg6: memref<2048xi32, #tpu.memory_space<vmem>>, %arg7: memref<2048xi32, #tpu.memory_space<vmem>>, %arg8: memref<16384xf32, #tpu.memory_space<vmem>>, %arg9: memref<!tpu.dma_semaphore, #tpu.memory_space<semaphore_mem>>, %arg10: memref<!tpu.dma_semaphore, #tpu.memory_space<semaphore_mem>>) attributes {dimension_semantics = [#tpu.dimension_semantics<core_parallel>, #tpu.dimension_semantics<subcore_parallel>], iteration_bounds = array<i64: 2, 16>, scalar_prefetch = 0 : i64, scratch_operands = 6 : i64, tpu.core_type = #tpu.core_type<sc_vector_subcore>, window_params = [{transform_indices = #map}, {transform_indices = #map}, {transform_indices = #map}]} {
    %mul3A = arith.constant 2 : i32
    %mul3A_0 = arith.muli %arg1, %mul3A : i32
    %add3A = arith.addi %mul3A_0, %arg0 : i32
    %scan3A = arith.constant 0 : i32
    %scan3A_1 = arith.constant 0 : i32
    %scan3A_2 = arith.constant 13 : i32
    %scan3A_3 = arith.addi %scan3A_1, %scan3A_2 : i32
    %scan3A_4 = arith.constant 1 : i32
    %scan3A_5 = scf.for %scan3A_7 = %scan3A_1 to %scan3A_3 step %scan3A_4 iter_args(%scan3A_8 = %scan3A) -> (i32)  : i32 {
      %mul3A_9 = arith.constant 13 : i32
      %mul3A_10 = arith.muli %add3A, %mul3A_9 : i32
      %add3A_11 = arith.addi %mul3A_10, %scan3A_7 : i32
      %jit3A = arith.constant 16 : i32
      %div3A = arith.divsi %add3A_11, %jit3A : i32
      %sign3A = arith.constant 0 : i32
      %sign3A_12 = arith.cmpi sgt, %add3A_11, %sign3A : i32
      %sign3A_13 = arith.extui %sign3A_12 : i1 to i32
      %sign3A_14 = arith.constant 0 : i32
      %sign3A_15 = arith.cmpi slt, %add3A_11, %sign3A_14 : i32
      %sign3A_16 = arith.extui %sign3A_15 : i1 to i32
      %sign3A_17 = arith.subi %sign3A_13, %sign3A_16 : i32
      %sign3A_18 = arith.constant 0 : i32
      %sign3A_19 = arith.cmpi sgt, %jit3A, %sign3A_18 : i32
      %sign3A_20 = arith.extui %sign3A_19 : i1 to i32
      %sign3A_21 = arith.constant 0 : i32
      %sign3A_22 = arith.cmpi slt, %jit3A, %sign3A_21 : i32
      %sign3A_23 = arith.extui %sign3A_22 : i1 to i32
      %sign3A_24 = arith.subi %sign3A_20, %sign3A_23 : i32
      %ne3A = arith.cmpi ne, %sign3A_17, %sign3A_24 : i32
      %rem3A = arith.remsi %add3A_11, %jit3A : i32
      %ne3A_25 = arith.constant 0 : i32
      %ne3A_26 = arith.cmpi ne, %rem3A, %ne3A_25 : i32
      %and3A = arith.andi %ne3A, %ne3A_26 : i1
      %sub3A = arith.constant 1 : i32
      %sub3A_27 = arith.subi %div3A, %sub3A : i32
      %select_n3A = arith.select %and3A, %sub3A_27, %div3A : i32
      "tpu.region"() ({
        %run_scoped3A = tpu.sem_alloc : memref<!tpu.dma_semaphore, #tpu.memory_space<semaphore_mem>>
        %dma_start3A_179 = arith.constant 0 : i32
        %dma_start3A_180 = tpu.memref_slice %arg2[%add3A_11, %dma_start3A_179] : memref<416x100000xf32, #tpu.memory_space<hbm>> -> memref<1x100000xf32, #tpu.memory_space<hbm>>
        %dma_start3A_181 = tpu.memref_squeeze %dma_start3A_180 : memref<1x100000xf32, #tpu.memory_space<hbm>> -> memref<100000xf32, #tpu.memory_space<hbm>>
        %dma_start3A_182 = arith.constant 0 : i32
        %dma_start3A_183 = tpu.memref_slice %arg2[%add3A_11, %dma_start3A_182] : memref<416x100000xf32, #tpu.memory_space<hbm>> -> memref<1x100000xf32, #tpu.memory_space<hbm>>
        %dma_start3A_184 = tpu.memref_squeeze %dma_start3A_183 : memref<1x100000xf32, #tpu.memory_space<hbm>> -> memref<100000xf32, #tpu.memory_space<hbm>>
        tpu.enqueue_dma source(%dma_start3A_184 : memref<100000xf32, #tpu.memory_space<hbm>>) target(%arg5 : memref<100000xf32, #tpu.memory_space<vmem>>) target_semaphore(%run_scoped3A : memref<!tpu.dma_semaphore, #tpu.memory_space<semaphore_mem>>)
        %dma_wait3A_185 = arith.constant 0 : i32
        %dma_wait3A_186 = tpu.memref_slice %arg2[%add3A_11, %dma_wait3A_185] : memref<416x100000xf32, #tpu.memory_space<hbm>> -> memref<1x100000xf32, #tpu.memory_space<hbm>>
        %dma_wait3A_187 = tpu.memref_squeeze %dma_wait3A_186 : memref<1x100000xf32, #tpu.memory_space<hbm>> -> memref<100000xf32, #tpu.memory_space<hbm>>
        %dma_wait3A_188 = arith.constant 0 : i32
        %dma_wait3A_189 = tpu.memref_slice %arg2[%add3A_11, %dma_wait3A_188] : memref<416x100000xf32, #tpu.memory_space<hbm>> -> memref<1x100000xf32, #tpu.memory_space<hbm>>
        %dma_wait3A_190 = tpu.memref_squeeze %dma_wait3A_189 : memref<1x100000xf32, #tpu.memory_space<hbm>> -> memref<100000xf32, #tpu.memory_space<hbm>>
        tpu.wait_dma2 semaphore(%run_scoped3A : memref<!tpu.dma_semaphore, #tpu.memory_space<semaphore_mem>>) src(%dma_wait3A_190 : memref<100000xf32, #tpu.memory_space<hbm>>) dst(%arg5 : memref<100000xf32, #tpu.memory_space<vmem>>)
        tpu.yield
      }) : () -> ()
      "tpu.region"() ({
        %run_scoped3A = tpu.sem_alloc : memref<!tpu.dma_semaphore, #tpu.memory_space<semaphore_mem>>
        %dma_start3A_179 = arith.constant 0 : i32
        %dma_start3A_180 = tpu.memref_slice %arg3[%select_n3A, %dma_start3A_179] : memref<26x16384xi32, #tpu.memory_space<hbm>> -> memref<1x2048xi32, #tpu.memory_space<hbm>>
        %dma_start3A_181 = tpu.memref_squeeze %dma_start3A_180 : memref<1x2048xi32, #tpu.memory_space<hbm>> -> memref<2048xi32, #tpu.memory_space<hbm>>
        %dma_start3A_182 = arith.constant 0 : i32
        %dma_start3A_183 = tpu.memref_slice %arg3[%select_n3A, %dma_start3A_182] : memref<26x16384xi32, #tpu.memory_space<hbm>> -> memref<1x2048xi32, #tpu.memory_space<hbm>>
        %dma_start3A_184 = tpu.memref_squeeze %dma_start3A_183 : memref<1x2048xi32, #tpu.memory_space<hbm>> -> memref<2048xi32, #tpu.memory_space<hbm>>
        tpu.enqueue_dma source(%dma_start3A_184 : memref<2048xi32, #tpu.memory_space<hbm>>) target(%arg6 : memref<2048xi32, #tpu.memory_space<vmem>>) target_semaphore(%run_scoped3A : memref<!tpu.dma_semaphore, #tpu.memory_space<semaphore_mem>>)
        %dma_wait3A_185 = arith.constant 0 : i32
        %dma_wait3A_186 = tpu.memref_slice %arg3[%select_n3A, %dma_wait3A_185] : memref<26x16384xi32, #tpu.memory_space<hbm>> -> memref<1x2048xi32, #tpu.memory_space<hbm>>
        %dma_wait3A_187 = tpu.memref_squeeze %dma_wait3A_186 : memref<1x2048xi32, #tpu.memory_space<hbm>> -> memref<2048xi32, #tpu.memory_space<hbm>>
        %dma_wait3A_188 = arith.constant 0 : i32
        %dma_wait3A_189 = tpu.memref_slice %arg3[%select_n3A, %dma_wait3A_188] : memref<26x16384xi32, #tpu.memory_space<hbm>> -> memref<1x2048xi32, #tpu.memory_space<hbm>>
        %dma_wait3A_190 = tpu.memref_squeeze %dma_wait3A_189 : memref<1x2048xi32, #tpu.memory_space<hbm>> -> memref<2048xi32, #tpu.memory_space<hbm>>
        tpu.wait_dma2 semaphore(%run_scoped3A : memref<!tpu.dma_semaphore, #tpu.memory_space<semaphore_mem>>) src(%dma_wait3A_190 : memref<2048xi32, #tpu.memory_space<hbm>>) dst(%arg6 : memref<2048xi32, #tpu.memory_space<vmem>>)
        tpu.yield
      }) : () -> ()
      %dma_start3A = arith.constant 2048 : i32
      %dma_start3A_28 = tpu.memref_slice %arg3[%select_n3A, %dma_start3A] : memref<26x16384xi32, #tpu.memory_space<hbm>> -> memref<1x2048xi32, #tpu.memory_space<hbm>>
      %dma_start3A_29 = tpu.memref_squeeze %dma_start3A_28 : memref<1x2048xi32, #tpu.memory_space<hbm>> -> memref<2048xi32, #tpu.memory_space<hbm>>
      %dma_start3A_30 = arith.constant 2048 : i32
      %dma_start3A_31 = tpu.memref_slice %arg3[%select_n3A, %dma_start3A_30] : memref<26x16384xi32, #tpu.memory_space<hbm>> -> memref<1x2048xi32, #tpu.memory_space<hbm>>
      %dma_start3A_32 = tpu.memref_squeeze %dma_start3A_31 : memref<1x2048xi32, #tpu.memory_space<hbm>> -> memref<2048xi32, #tpu.memory_space<hbm>>
      tpu.enqueue_dma source(%dma_start3A_32 : memref<2048xi32, #tpu.memory_space<hbm>>) target(%arg7 : memref<2048xi32, #tpu.memory_space<vmem>>) target_semaphore(%arg10 : memref<!tpu.dma_semaphore, #tpu.memory_space<semaphore_mem>>)
      %scan3A_33 = arith.constant 0 : i32
      %scan3A_34 = arith.constant 0 : i32
      %scan3A_35 = arith.constant 128 : i32
      %scan3A_36 = arith.addi %scan3A_34, %scan3A_35 : i32
      %scan3A_37 = arith.constant 8 : i32
      %scan3A_38 = scf.for %scan3A_179 = %scan3A_34 to %scan3A_36 step %scan3A_37 iter_args(%scan3A_180 = %scan3A_33) -> (i32)  : i32 {
        %mul3A_181 = arith.constant 16 : i32
        %mul3A_182 = arith.muli %scan3A_179, %mul3A_181 : i32
        %get3A = arith.index_cast %mul3A_182 : i32 to index
        %get3A_183 = tpu.vector_load %arg6[%get3A] {strides = array<i32>} : memref<2048xi32, #tpu.memory_space<vmem>>, vector<16xi32>,
        %gather3A = tpu.vector_load_idx %arg5[%get3A_183] : memref<100000xf32, #tpu.memory_space<vmem>>[vector<16xi32>], vector<16xf32>,
        %mul3A_184 = arith.constant 16 : i32
        %mul3A_185 = arith.muli %scan3A_179, %mul3A_184 : i32
        %add3A_186 = arith.constant 0 : i32
        %add3A_187 = arith.addi %add3A_186, %mul3A_185 : i32
        %swap3A = arith.index_cast %add3A_187 : i32 to index
        %swap3A_188 = tpu.vector_load %arg8[%swap3A] {strides = array<i32>} : memref<16384xf32, #tpu.memory_space<vmem>>, vector<16xf32>,
        tpu.vector_store %arg8[%swap3A], %gather3A {strides = array<i32>} : memref<16384xf32, #tpu.memory_space<vmem>>, vector<16xf32>,
        %scan3A_189 = arith.constant 0 : i32
        %scan3A_190 = arith.constant 1 : i32
        %scan3A_191 = arith.addi %scan3A_179, %scan3A_190 : i32
        %mul3A_192 = arith.constant 16 : i32
        %mul3A_193 = arith.muli %scan3A_191, %mul3A_192 : i32
        %get3A_194 = arith.index_cast %mul3A_193 : i32 to index
        %get3A_195 = tpu.vector_load %arg6[%get3A_194] {strides = array<i32>} : memref<2048xi32, #tpu.memory_space<vmem>>, vector<16xi32>,
        %gather3A_196 = tpu.vector_load_idx %arg5[%get3A_195] : memref<100000xf32, #tpu.memory_space<vmem>>[vector<16xi32>], vector<16xf32>,
        %mul3A_197 = arith.constant 16 : i32
        %mul3A_198 = arith.muli %scan3A_191, %mul3A_197 : i32
        %add3A_199 = arith.constant 0 : i32
        %add3A_200 = arith.addi %add3A_199, %mul3A_198 : i32
        %swap3A_201 = arith.index_cast %add3A_200 : i32 to index
        %swap3A_202 = tpu.vector_load %arg8[%swap3A_201] {strides = array<i32>} : memref<16384xf32, #tpu.memory_space<vmem>>, vector<16xf32>,
        tpu.vector_store %arg8[%swap3A_201], %gather3A_196 {strides = array<i32>} : memref<16384xf32, #tpu.memory_space<vmem>>, vector<16xf32>,
        %scan3A_203 = arith.constant 0 : i32
        %scan3A_204 = arith.constant 2 : i32
        %scan3A_205 = arith.addi %scan3A_179, %scan3A_204 : i32
        %mul3A_206 = arith.constant 16 : i32
        %mul3A_207 = arith.muli %scan3A_205, %mul3A_206 : i32
        %get3A_208 = arith.index_cast %mul3A_207 : i32 to index
        %get3A_209 = tpu.vector_load %arg6[%get3A_208] {strides = array<i32>} : memref<2048xi32, #tpu.memory_space<vmem>>, vector<16xi32>,
        %gather3A_210 = tpu.vector_load_idx %arg5[%get3A_209] : memref<100000xf32, #tpu.memory_space<vmem>>[vector<16xi32>], vector<16xf32>,
        %mul3A_211 = arith.constant 16 : i32
        %mul3A_212 = arith.muli %scan3A_205, %mul3A_211 : i32
        %add3A_213 = arith.constant 0 : i32
        %add3A_214 = arith.addi %add3A_213, %mul3A_212 : i32
        %swap3A_215 = arith.index_cast %add3A_214 : i32 to index
        %swap3A_216 = tpu.vector_load %arg8[%swap3A_215] {strides = array<i32>} : memref<16384xf32, #tpu.memory_space<vmem>>, vector<16xf32>,
        tpu.vector_store %arg8[%swap3A_215], %gather3A_210 {strides = array<i32>} : memref<16384xf32, #tpu.memory_space<vmem>>, vector<16xf32>,
        %scan3A_217 = arith.constant 0 : i32
        %scan3A_218 = arith.constant 3 : i32
        %scan3A_219 = arith.addi %scan3A_179, %scan3A_218 : i32
        %mul3A_220 = arith.constant 16 : i32
        %mul3A_221 = arith.muli %scan3A_219, %mul3A_220 : i32
        %get3A_222 = arith.index_cast %mul3A_221 : i32 to index
        %get3A_223 = tpu.vector_load %arg6[%get3A_222] {strides = array<i32>} : memref<2048xi32, #tpu.memory_space<vmem>>, vector<16xi32>,
        %gather3A_224 = tpu.vector_load_idx %arg5[%get3A_223] : memref<100000xf32, #tpu.memory_space<vmem>>[vector<16xi32>], vector<16xf32>,
        %mul3A_225 = arith.constant 16 : i32
        %mul3A_226 = arith.muli %scan3A_219, %mul3A_225 : i32
        %add3A_227 = arith.constant 0 : i32
        %add3A_228 = arith.addi %add3A_227, %mul3A_226 : i32
        %swap3A_229 = arith.index_cast %add3A_228 : i32 to index
        %swap3A_230 = tpu.vector_load %arg8[%swap3A_229] {strides = array<i32>} : memref<16384xf32, #tpu.memory_space<vmem>>, vector<16xf32>,
        tpu.vector_store %arg8[%swap3A_229], %gather3A_224 {strides = array<i32>} : memref<16384xf32, #tpu.memory_space<vmem>>, vector<16xf32>,
        %scan3A_231 = arith.constant 0 : i32
        %scan3A_232 = arith.constant 4 : i32
        %scan3A_233 = arith.addi %scan3A_179, %scan3A_232 : i32
        %mul3A_234 = arith.constant 16 : i32
        %mul3A_235 = arith.muli %scan3A_233, %mul3A_234 : i32
        %get3A_236 = arith.index_cast %mul3A_235 : i32 to index
        %get3A_237 = tpu.vector_load %arg6[%get3A_236] {strides = array<i32>} : memref<2048xi32, #tpu.memory_space<vmem>>, vector<16xi32>,
        %gather3A_238 = tpu.vector_load_idx %arg5[%get3A_237] : memref<100000xf32, #tpu.memory_space<vmem>>[vector<16xi32>], vector<16xf32>,
        %mul3A_239 = arith.constant 16 : i32
        %mul3A_240 = arith.muli %scan3A_233, %mul3A_239 : i32
        %add3A_241 = arith.constant 0 : i32
        %add3A_242 = arith.addi %add3A_241, %mul3A_240 : i32
        %swap3A_243 = arith.index_cast %add3A_242 : i32 to index
        %swap3A_244 = tpu.vector_load %arg8[%swap3A_243] {strides = array<i32>} : memref<16384xf32, #tpu.memory_space<vmem>>, vector<16xf32>,
        tpu.vector_store %arg8[%swap3A_243], %gather3A_238 {strides = array<i32>} : memref<16384xf32, #tpu.memory_space<vmem>>, vector<16xf32>,
        %scan3A_245 = arith.constant 0 : i32
        %scan3A_246 = arith.constant 5 : i32
        %scan3A_247 = arith.addi %scan3A_179, %scan3A_246 : i32
        %mul3A_248 = arith.constant 16 : i32
        %mul3A_249 = arith.muli %scan3A_247, %mul3A_248 : i32
        %get3A_250 = arith.index_cast %mul3A_249 : i32 to index
        %get3A_251 = tpu.vector_load %arg6[%get3A_250] {strides = array<i32>} : memref<2048xi32, #tpu.memory_space<vmem>>, vector<16xi32>,
        %gather3A_252 = tpu.vector_load_idx %arg5[%get3A_251] : memref<100000xf32, #tpu.memory_space<vmem>>[vector<16xi32>], vector<16xf32>,
        %mul3A_253 = arith.constant 16 : i32
        %mul3A_254 = arith.muli %scan3A_247, %mul3A_253 : i32
        %add3A_255 = arith.constant 0 : i32
        %add3A_256 = arith.addi %add3A_255, %mul3A_254 : i32
        %swap3A_257 = arith.index_cast %add3A_256 : i32 to index
        %swap3A_258 = tpu.vector_load %arg8[%swap3A_257] {strides = array<i32>} : memref<16384xf32, #tpu.memory_space<vmem>>, vector<16xf32>,
        tpu.vector_store %arg8[%swap3A_257], %gather3A_252 {strides = array<i32>} : memref<16384xf32, #tpu.memory_space<vmem>>, vector<16xf32>,
        %scan3A_259 = arith.constant 0 : i32
        %scan3A_260 = arith.constant 6 : i32
        %scan3A_261 = arith.addi %scan3A_179, %scan3A_260 : i32
        %mul3A_262 = arith.constant 16 : i32
        %mul3A_263 = arith.muli %scan3A_261, %mul3A_262 : i32
        %get3A_264 = arith.index_cast %mul3A_263 : i32 to index
        %get3A_265 = tpu.vector_load %arg6[%get3A_264] {strides = array<i32>} : memref<2048xi32, #tpu.memory_space<vmem>>, vector<16xi32>,
        %gather3A_266 = tpu.vector_load_idx %arg5[%get3A_265] : memref<100000xf32, #tpu.memory_space<vmem>>[vector<16xi32>], vector<16xf32>,
        %mul3A_267 = arith.constant 16 : i32
        %mul3A_268 = arith.muli %scan3A_261, %mul3A_267 : i32
        %add3A_269 = arith.constant 0 : i32
        %add3A_270 = arith.addi %add3A_269, %mul3A_268 : i32
        %swap3A_271 = arith.index_cast %add3A_270 : i32 to index
        %swap3A_272 = tpu.vector_load %arg8[%swap3A_271] {strides = array<i32>} : memref<16384xf32, #tpu.memory_space<vmem>>, vector<16xf32>,
        tpu.vector_store %arg8[%swap3A_271], %gather3A_266 {strides = array<i32>} : memref<16384xf32, #tpu.memory_space<vmem>>, vector<16xf32>,
        %scan3A_273 = arith.constant 0 : i32
        %scan3A_274 = arith.constant 7 : i32
        %scan3A_275 = arith.addi %scan3A_179, %scan3A_274 : i32
        %mul3A_276 = arith.constant 16 : i32
        %mul3A_277 = arith.muli %scan3A_275, %mul3A_276 : i32
        %get3A_278 = arith.index_cast %mul3A_277 : i32 to index
        %get3A_279 = tpu.vector_load %arg6[%get3A_278] {strides = array<i32>} : memref<2048xi32, #tpu.memory_space<vmem>>, vector<16xi32>,
        %gather3A_280 = tpu.vector_load_idx %arg5[%get3A_279] : memref<100000xf32, #tpu.memory_space<vmem>>[vector<16xi32>], vector<16xf32>,
        %mul3A_281 = arith.constant 16 : i32
        %mul3A_282 = arith.muli %scan3A_275, %mul3A_281 : i32
        %add3A_283 = arith.constant 0 : i32
        %add3A_284 = arith.addi %add3A_283, %mul3A_282 : i32
        %swap3A_285 = arith.index_cast %add3A_284 : i32 to index
        %swap3A_286 = tpu.vector_load %arg8[%swap3A_285] {strides = array<i32>} : memref<16384xf32, #tpu.memory_space<vmem>>, vector<16xf32>,
        tpu.vector_store %arg8[%swap3A_285], %gather3A_280 {strides = array<i32>} : memref<16384xf32, #tpu.memory_space<vmem>>, vector<16xf32>,
        %scan3A_287 = arith.constant 0 : i32
        scf.yield %scan3A_287 : i32
      }
      %scan3A_39 = arith.constant 128 : i32
      %dma_wait3A = arith.constant 2048 : i32
      %dma_wait3A_40 = tpu.memref_slice %arg3[%select_n3A, %dma_wait3A] : memref<26x16384xi32, #tpu.memory_space<hbm>> -> memref<1x2048xi32, #tpu.memory_space<hbm>>
      %dma_wait3A_41 = tpu.memref_squeeze %dma_wait3A_40 : memref<1x2048xi32, #tpu.memory_space<hbm>> -> memref<2048xi32, #tpu.memory_space<hbm>>
      %dma_wait3A_42 = arith.constant 2048 : i32
      %dma_wait3A_43 = tpu.memref_slice %arg3[%select_n3A, %dma_wait3A_42] : memref<26x16384xi32, #tpu.memory_space<hbm>> -> memref<1x2048xi32, #tpu.memory_space<hbm>>
      %dma_wait3A_44 = tpu.memref_squeeze %dma_wait3A_43 : memref<1x2048xi32, #tpu.memory_space<hbm>> -> memref<2048xi32, #tpu.memory_space<hbm>>
      tpu.wait_dma2 semaphore(%arg10 : memref<!tpu.dma_semaphore, #tpu.memory_space<semaphore_mem>>) src(%dma_wait3A_44 : memref<2048xi32, #tpu.memory_space<hbm>>) dst(%arg7 : memref<2048xi32, #tpu.memory_space<vmem>>)
      %dma_start3A_45 = arith.constant 4096 : i32
      %dma_start3A_46 = tpu.memref_slice %arg3[%select_n3A, %dma_start3A_45] : memref<26x16384xi32, #tpu.memory_space<hbm>> -> memref<1x2048xi32, #tpu.memory_space<hbm>>
      %dma_start3A_47 = tpu.memref_squeeze %dma_start3A_46 : memref<1x2048xi32, #tpu.memory_space<hbm>> -> memref<2048xi32, #tpu.memory_space<hbm>>
      %dma_start3A_48 = arith.constant 4096 : i32
      %dma_start3A_49 = tpu.memref_slice %arg3[%select_n3A, %dma_start3A_48] : memref<26x16384xi32, #tpu.memory_space<hbm>> -> memref<1x2048xi32, #tpu.memory_space<hbm>>
      %dma_start3A_50 = tpu.memref_squeeze %dma_start3A_49 : memref<1x2048xi32, #tpu.memory_space<hbm>> -> memref<2048xi32, #tpu.memory_space<hbm>>
      tpu.enqueue_dma source(%dma_start3A_50 : memref<2048xi32, #tpu.memory_space<hbm>>) target(%arg6 : memref<2048xi32, #tpu.memory_space<vmem>>) target_semaphore(%arg10 : memref<!tpu.dma_semaphore, #tpu.memory_space<semaphore_mem>>)
      %scan3A_51 = arith.constant 0 : i32
      %scan3A_52 = arith.constant 0 : i32
      %scan3A_53 = arith.constant 128 : i32
      %scan3A_54 = arith.addi %scan3A_52, %scan3A_53 : i32
      %scan3A_55 = arith.constant 8 : i32
      %scan3A_56 = scf.for %scan3A_179 = %scan3A_52 to %scan3A_54 step %scan3A_55 iter_args(%scan3A_180 = %scan3A_51) -> (i32)  : i32 {
        %mul3A_181 = arith.constant 16 : i32
        %mul3A_182 = arith.muli %scan3A_179, %mul3A_181 : i32
        %get3A = arith.index_cast %mul3A_182 : i32 to index
        %get3A_183 = tpu.vector_load %arg7[%get3A] {strides = array<i32>} : memref<2048xi32, #tpu.memory_space<vmem>>, vector<16xi32>,
        %gather3A = tpu.vector_load_idx %arg5[%get3A_183] : memref<100000xf32, #tpu.memory_space<vmem>>[vector<16xi32>], vector<16xf32>,
        %mul3A_184 = arith.constant 16 : i32
        %mul3A_185 = arith.muli %scan3A_179, %mul3A_184 : i32
        %add3A_186 = arith.constant 2048 : i32
        %add3A_187 = arith.addi %add3A_186, %mul3A_185 : i32
        %swap3A = arith.index_cast %add3A_187 : i32 to index
        %swap3A_188 = tpu.vector_load %arg8[%swap3A] {strides = array<i32>} : memref<16384xf32, #tpu.memory_space<vmem>>, vector<16xf32>,
        tpu.vector_store %arg8[%swap3A], %gather3A {strides = array<i32>} : memref<16384xf32, #tpu.memory_space<vmem>>, vector<16xf32>,
        %scan3A_189 = arith.constant 0 : i32
        %scan3A_190 = arith.constant 1 : i32
        %scan3A_191 = arith.addi %scan3A_179, %scan3A_190 : i32
        %mul3A_192 = arith.constant 16 : i32
        %mul3A_193 = arith.muli %scan3A_191, %mul3A_192 : i32
        %get3A_194 = arith.index_cast %mul3A_193 : i32 to index
        %get3A_195 = tpu.vector_load %arg7[%get3A_194] {strides = array<i32>} : memref<2048xi32, #tpu.memory_space<vmem>>, vector<16xi32>,
        %gather3A_196 = tpu.vector_load_idx %arg5[%get3A_195] : memref<100000xf32, #tpu.memory_space<vmem>>[vector<16xi32>], vector<16xf32>,
        %mul3A_197 = arith.constant 16 : i32
        %mul3A_198 = arith.muli %scan3A_191, %mul3A_197 : i32
        %add3A_199 = arith.constant 2048 : i32
        %add3A_200 = arith.addi %add3A_199, %mul3A_198 : i32
        %swap3A_201 = arith.index_cast %add3A_200 : i32 to index
        %swap3A_202 = tpu.vector_load %arg8[%swap3A_201] {strides = array<i32>} : memref<16384xf32, #tpu.memory_space<vmem>>, vector<16xf32>,
        tpu.vector_store %arg8[%swap3A_201], %gather3A_196 {strides = array<i32>} : memref<16384xf32, #tpu.memory_space<vmem>>, vector<16xf32>,
        %scan3A_203 = arith.constant 0 : i32
        %scan3A_204 = arith.constant 2 : i32
        %scan3A_205 = arith.addi %scan3A_179, %scan3A_204 : i32
        %mul3A_206 = arith.constant 16 : i32
        %mul3A_207 = arith.muli %scan3A_205, %mul3A_206 : i32
        %get3A_208 = arith.index_cast %mul3A_207 : i32 to index
        %get3A_209 = tpu.vector_load %arg7[%get3A_208] {strides = array<i32>} : memref<2048xi32, #tpu.memory_space<vmem>>, vector<16xi32>,
        %gather3A_210 = tpu.vector_load_idx %arg5[%get3A_209] : memref<100000xf32, #tpu.memory_space<vmem>>[vector<16xi32>], vector<16xf32>,
        %mul3A_211 = arith.constant 16 : i32
        %mul3A_212 = arith.muli %scan3A_205, %mul3A_211 : i32
        %add3A_213 = arith.constant 2048 : i32
        %add3A_214 = arith.addi %add3A_213, %mul3A_212 : i32
        %swap3A_215 = arith.index_cast %add3A_214 : i32 to index
        %swap3A_216 = tpu.vector_load %arg8[%swap3A_215] {strides = array<i32>} : memref<16384xf32, #tpu.memory_space<vmem>>, vector<16xf32>,
        tpu.vector_store %arg8[%swap3A_215], %gather3A_210 {strides = array<i32>} : memref<16384xf32, #tpu.memory_space<vmem>>, vector<16xf32>,
        %scan3A_217 = arith.constant 0 : i32
        %scan3A_218 = arith.constant 3 : i32
        %scan3A_219 = arith.addi %scan3A_179, %scan3A_218 : i32
        %mul3A_220 = arith.constant 16 : i32
        %mul3A_221 = arith.muli %scan3A_219, %mul3A_220 : i32
        %get3A_222 = arith.index_cast %mul3A_221 : i32 to index
        %get3A_223 = tpu.vector_load %arg7[%get3A_222] {strides = array<i32>} : memref<2048xi32, #tpu.memory_space<vmem>>, vector<16xi32>,
        %gather3A_224 = tpu.vector_load_idx %arg5[%get3A_223] : memref<100000xf32, #tpu.memory_space<vmem>>[vector<16xi32>], vector<16xf32>,
        %mul3A_225 = arith.constant 16 : i32
        %mul3A_226 = arith.muli %scan3A_219, %mul3A_225 : i32
        %add3A_227 = arith.constant 2048 : i32
        %add3A_228 = arith.addi %add3A_227, %mul3A_226 : i32
        %swap3A_229 = arith.index_cast %add3A_228 : i32 to index
        %swap3A_230 = tpu.vector_load %arg8[%swap3A_229] {strides = array<i32>} : memref<16384xf32, #tpu.memory_space<vmem>>, vector<16xf32>,
        tpu.vector_store %arg8[%swap3A_229], %gather3A_224 {strides = array<i32>} : memref<16384xf32, #tpu.memory_space<vmem>>, vector<16xf32>,
        %scan3A_231 = arith.constant 0 : i32
        %scan3A_232 = arith.constant 4 : i32
        %scan3A_233 = arith.addi %scan3A_179, %scan3A_232 : i32
        %mul3A_234 = arith.constant 16 : i32
        %mul3A_235 = arith.muli %scan3A_233, %mul3A_234 : i32
        %get3A_236 = arith.index_cast %mul3A_235 : i32 to index
        %get3A_237 = tpu.vector_load %arg7[%get3A_236] {strides = array<i32>} : memref<2048xi32, #tpu.memory_space<vmem>>, vector<16xi32>,
        %gather3A_238 = tpu.vector_load_idx %arg5[%get3A_237] : memref<100000xf32, #tpu.memory_space<vmem>>[vector<16xi32>], vector<16xf32>,
        %mul3A_239 = arith.constant 16 : i32
        %mul3A_240 = arith.muli %scan3A_233, %mul3A_239 : i32
        %add3A_241 = arith.constant 2048 : i32
        %add3A_242 = arith.addi %add3A_241, %mul3A_240 : i32
        %swap3A_243 = arith.index_cast %add3A_242 : i32 to index
        %swap3A_244 = tpu.vector_load %arg8[%swap3A_243] {strides = array<i32>} : memref<16384xf32, #tpu.memory_space<vmem>>, vector<16xf32>,
        tpu.vector_store %arg8[%swap3A_243], %gather3A_238 {strides = array<i32>} : memref<16384xf32, #tpu.memory_space<vmem>>, vector<16xf32>,
        %scan3A_245 = arith.constant 0 : i32
        %scan3A_246 = arith.constant 5 : i32
        %scan3A_247 = arith.addi %scan3A_179, %scan3A_246 : i32
        %mul3A_248 = arith.constant 16 : i32
        %mul3A_249 = arith.muli %scan3A_247, %mul3A_248 : i32
        %get3A_250 = arith.index_cast %mul3A_249 : i32 to index
        %get3A_251 = tpu.vector_load %arg7[%get3A_250] {strides = array<i32>} : memref<2048xi32, #tpu.memory_space<vmem>>, vector<16xi32>,
        %gather3A_252 = tpu.vector_load_idx %arg5[%get3A_251] : memref<100000xf32, #tpu.memory_space<vmem>>[vector<16xi32>], vector<16xf32>,
        %mul3A_253 = arith.constant 16 : i32
        %mul3A_254 = arith.muli %scan3A_247, %mul3A_253 : i32
        %add3A_255 = arith.constant 2048 : i32
        %add3A_256 = arith.addi %add3A_255, %mul3A_254 : i32
        %swap3A_257 = arith.index_cast %add3A_256 : i32 to index
        %swap3A_258 = tpu.vector_load %arg8[%swap3A_257] {strides = array<i32>} : memref<16384xf32, #tpu.memory_space<vmem>>, vector<16xf32>,
        tpu.vector_store %arg8[%swap3A_257], %gather3A_252 {strides = array<i32>} : memref<16384xf32, #tpu.memory_space<vmem>>, vector<16xf32>,
        %scan3A_259 = arith.constant 0 : i32
        %scan3A_260 = arith.constant 6 : i32
        %scan3A_261 = arith.addi %scan3A_179, %scan3A_260 : i32
        %mul3A_262 = arith.constant 16 : i32
        %mul3A_263 = arith.muli %scan3A_261, %mul3A_262 : i32
        %get3A_264 = arith.index_cast %mul3A_263 : i32 to index
        %get3A_265 = tpu.vector_load %arg7[%get3A_264] {strides = array<i32>} : memref<2048xi32, #tpu.memory_space<vmem>>, vector<16xi32>,
        %gather3A_266 = tpu.vector_load_idx %arg5[%get3A_265] : memref<100000xf32, #tpu.memory_space<vmem>>[vector<16xi32>], vector<16xf32>,
        %mul3A_267 = arith.constant 16 : i32
        %mul3A_268 = arith.muli %scan3A_261, %mul3A_267 : i32
        %add3A_269 = arith.constant 2048 : i32
        %add3A_270 = arith.addi %add3A_269, %mul3A_268 : i32
        %swap3A_271 = arith.index_cast %add3A_270 : i32 to index
        %swap3A_272 = tpu.vector_load %arg8[%swap3A_271] {strides = array<i32>} : memref<16384xf32, #tpu.memory_space<vmem>>, vector<16xf32>,
        tpu.vector_store %arg8[%swap3A_271], %gather3A_266 {strides = array<i32>} : memref<16384xf32, #tpu.memory_space<vmem>>, vector<16xf32>,
        %scan3A_273 = arith.constant 0 : i32
        %scan3A_274 = arith.constant 7 : i32
        %scan3A_275 = arith.addi %scan3A_179, %scan3A_274 : i32
        %mul3A_276 = arith.constant 16 : i32
        %mul3A_277 = arith.muli %scan3A_275, %mul3A_276 : i32
        %get3A_278 = arith.index_cast %mul3A_277 : i32 to index
        %get3A_279 = tpu.vector_load %arg7[%get3A_278] {strides = array<i32>} : memref<2048xi32, #tpu.memory_space<vmem>>, vector<16xi32>,
        %gather3A_280 = tpu.vector_load_idx %arg5[%get3A_279] : memref<100000xf32, #tpu.memory_space<vmem>>[vector<16xi32>], vector<16xf32>,
        %mul3A_281 = arith.constant 16 : i32
        %mul3A_282 = arith.muli %scan3A_275, %mul3A_281 : i32
        %add3A_283 = arith.constant 2048 : i32
        %add3A_284 = arith.addi %add3A_283, %mul3A_282 : i32
        %swap3A_285 = arith.index_cast %add3A_284 : i32 to index
        %swap3A_286 = tpu.vector_load %arg8[%swap3A_285] {strides = array<i32>} : memref<16384xf32, #tpu.memory_space<vmem>>, vector<16xf32>,
        tpu.vector_store %arg8[%swap3A_285], %gather3A_280 {strides = array<i32>} : memref<16384xf32, #tpu.memory_space<vmem>>, vector<16xf32>,
        %scan3A_287 = arith.constant 0 : i32
        scf.yield %scan3A_287 : i32
      }
      %scan3A_57 = arith.constant 128 : i32
      %dma_wait3A_58 = arith.constant 4096 : i32
      %dma_wait3A_59 = tpu.memref_slice %arg3[%select_n3A, %dma_wait3A_58] : memref<26x16384xi32, #tpu.memory_space<hbm>> -> memref<1x2048xi32, #tpu.memory_space<hbm>>
      %dma_wait3A_60 = tpu.memref_squeeze %dma_wait3A_59 : memref<1x2048xi32, #tpu.memory_space<hbm>> -> memref<2048xi32, #tpu.memory_space<hbm>>
      %dma_wait3A_61 = arith.constant 4096 : i32
      %dma_wait3A_62 = tpu.memref_slice %arg3[%select_n3A, %dma_wait3A_61] : memref<26x16384xi32, #tpu.memory_space<hbm>> -> memref<1x2048xi32, #tpu.memory_space<hbm>>
      %dma_wait3A_63 = tpu.memref_squeeze %dma_wait3A_62 : memref<1x2048xi32, #tpu.memory_space<hbm>> -> memref<2048xi32, #tpu.memory_space<hbm>>
      tpu.wait_dma2 semaphore(%arg10 : memref<!tpu.dma_semaphore, #tpu.memory_space<semaphore_mem>>) src(%dma_wait3A_63 : memref<2048xi32, #tpu.memory_space<hbm>>) dst(%arg6 : memref<2048xi32, #tpu.memory_space<vmem>>)
      %dma_start3A_64 = arith.constant 6144 : i32
      %dma_start3A_65 = tpu.memref_slice %arg3[%select_n3A, %dma_start3A_64] : memref<26x16384xi32, #tpu.memory_space<hbm>> -> memref<1x2048xi32, #tpu.memory_space<hbm>>
      %dma_start3A_66 = tpu.memref_squeeze %dma_start3A_65 : memref<1x2048xi32, #tpu.memory_space<hbm>> -> memref<2048xi32, #tpu.memory_space<hbm>>
      %dma_start3A_67 = arith.constant 6144 : i32
      %dma_start3A_68 = tpu.memref_slice %arg3[%select_n3A, %dma_start3A_67] : memref<26x16384xi32, #tpu.memory_space<hbm>> -> memref<1x2048xi32, #tpu.memory_space<hbm>>
      %dma_start3A_69 = tpu.memref_squeeze %dma_start3A_68 : memref<1x2048xi32, #tpu.memory_space<hbm>> -> memref<2048xi32, #tpu.memory_space<hbm>>
      tpu.enqueue_dma source(%dma_start3A_69 : memref<2048xi32, #tpu.memory_space<hbm>>) target(%arg7 : memref<2048xi32, #tpu.memory_space<vmem>>) target_semaphore(%arg10 : memref<!tpu.dma_semaphore, #tpu.memory_space<semaphore_mem>>)
      %scan3A_70 = arith.constant 0 : i32
      %scan3A_71 = arith.constant 0 : i32
      %scan3A_72 = arith.constant 128 : i32
      %scan3A_73 = arith.addi %scan3A_71, %scan3A_72 : i32
      %scan3A_74 = arith.constant 8 : i32
      %scan3A_75 = scf.for %scan3A_179 = %scan3A_71 to %scan3A_73 step %scan3A_74 iter_args(%scan3A_180 = %scan3A_70) -> (i32)  : i32 {
        %mul3A_181 = arith.constant 16 : i32
        %mul3A_182 = arith.muli %scan3A_179, %mul3A_181 : i32
        %get3A = arith.index_cast %mul3A_182 : i32 to index
        %get3A_183 = tpu.vector_load %arg6[%get3A] {strides = array<i32>} : memref<2048xi32, #tpu.memory_space<vmem>>, vector<16xi32>,
        %gather3A = tpu.vector_load_idx %arg5[%get3A_183] : memref<100000xf32, #tpu.memory_space<vmem>>[vector<16xi32>], vector<16xf32>,
        %mul3A_184 = arith.constant 16 : i32
        %mul3A_185 = arith.muli %scan3A_179, %mul3A_184 : i32
        %add3A_186 = arith.constant 4096 : i32
        %add3A_187 = arith.addi %add3A_186, %mul3A_185 : i32
        %swap3A = arith.index_cast %add3A_187 : i32 to index
        %swap3A_188 = tpu.vector_load %arg8[%swap3A] {strides = array<i32>} : memref<16384xf32, #tpu.memory_space<vmem>>, vector<16xf32>,
        tpu.vector_store %arg8[%swap3A], %gather3A {strides = array<i32>} : memref<16384xf32, #tpu.memory_space<vmem>>, vector<16xf32>,
        %scan3A_189 = arith.constant 0 : i32
        %scan3A_190 = arith.constant 1 : i32
        %scan3A_191 = arith.addi %scan3A_179, %scan3A_190 : i32
        %mul3A_192 = arith.constant 16 : i32
        %mul3A_193 = arith.muli %scan3A_191, %mul3A_192 : i32
        %get3A_194 = arith.index_cast %mul3A_193 : i32 to index
        %get3A_195 = tpu.vector_load %arg6[%get3A_194] {strides = array<i32>} : memref<2048xi32, #tpu.memory_space<vmem>>, vector<16xi32>,
        %gather3A_196 = tpu.vector_load_idx %arg5[%get3A_195] : memref<100000xf32, #tpu.memory_space<vmem>>[vector<16xi32>], vector<16xf32>,
        %mul3A_197 = arith.constant 16 : i32
        %mul3A_198 = arith.muli %scan3A_191, %mul3A_197 : i32
        %add3A_199 = arith.constant 4096 : i32
        %add3A_200 = arith.addi %add3A_199, %mul3A_198 : i32
        %swap3A_201 = arith.index_cast %add3A_200 : i32 to index
        %swap3A_202 = tpu.vector_load %arg8[%swap3A_201] {strides = array<i32>} : memref<16384xf32, #tpu.memory_space<vmem>>, vector<16xf32>,
        tpu.vector_store %arg8[%swap3A_201], %gather3A_196 {strides = array<i32>} : memref<16384xf32, #tpu.memory_space<vmem>>, vector<16xf32>,
        %scan3A_203 = arith.constant 0 : i32
        %scan3A_204 = arith.constant 2 : i32
        %scan3A_205 = arith.addi %scan3A_179, %scan3A_204 : i32
        %mul3A_206 = arith.constant 16 : i32
        %mul3A_207 = arith.muli %scan3A_205, %mul3A_206 : i32
        %get3A_208 = arith.index_cast %mul3A_207 : i32 to index
        %get3A_209 = tpu.vector_load %arg6[%get3A_208] {strides = array<i32>} : memref<2048xi32, #tpu.memory_space<vmem>>, vector<16xi32>,
        %gather3A_210 = tpu.vector_load_idx %arg5[%get3A_209] : memref<100000xf32, #tpu.memory_space<vmem>>[vector<16xi32>], vector<16xf32>,
        %mul3A_211 = arith.constant 16 : i32
        %mul3A_212 = arith.muli %scan3A_205, %mul3A_211 : i32
        %add3A_213 = arith.constant 4096 : i32
        %add3A_214 = arith.addi %add3A_213, %mul3A_212 : i32
        %swap3A_215 = arith.index_cast %add3A_214 : i32 to index
        %swap3A_216 = tpu.vector_load %arg8[%swap3A_215] {strides = array<i32>} : memref<16384xf32, #tpu.memory_space<vmem>>, vector<16xf32>,
        tpu.vector_store %arg8[%swap3A_215], %gather3A_210 {strides = array<i32>} : memref<16384xf32, #tpu.memory_space<vmem>>, vector<16xf32>,
        %scan3A_217 = arith.constant 0 : i32
        %scan3A_218 = arith.constant 3 : i32
        %scan3A_219 = arith.addi %scan3A_179, %scan3A_218 : i32
        %mul3A_220 = arith.constant 16 : i32
        %mul3A_221 = arith.muli %scan3A_219, %mul3A_220 : i32
        %get3A_222 = arith.index_cast %mul3A_221 : i32 to index
        %get3A_223 = tpu.vector_load %arg6[%get3A_222] {strides = array<i32>} : memref<2048xi32, #tpu.memory_space<vmem>>, vector<16xi32>,
        %gather3A_224 = tpu.vector_load_idx %arg5[%get3A_223] : memref<100000xf32, #tpu.memory_space<vmem>>[vector<16xi32>], vector<16xf32>,
        %mul3A_225 = arith.constant 16 : i32
        %mul3A_226 = arith.muli %scan3A_219, %mul3A_225 : i32
        %add3A_227 = arith.constant 4096 : i32
        %add3A_228 = arith.addi %add3A_227, %mul3A_226 : i32
        %swap3A_229 = arith.index_cast %add3A_228 : i32 to index
        %swap3A_230 = tpu.vector_load %arg8[%swap3A_229] {strides = array<i32>} : memref<16384xf32, #tpu.memory_space<vmem>>, vector<16xf32>,
        tpu.vector_store %arg8[%swap3A_229], %gather3A_224 {strides = array<i32>} : memref<16384xf32, #tpu.memory_space<vmem>>, vector<16xf32>,
        %scan3A_231 = arith.constant 0 : i32
        %scan3A_232 = arith.constant 4 : i32
        %scan3A_233 = arith.addi %scan3A_179, %scan3A_232 : i32
        %mul3A_234 = arith.constant 16 : i32
        %mul3A_235 = arith.muli %scan3A_233, %mul3A_234 : i32
        %get3A_236 = arith.index_cast %mul3A_235 : i32 to index
        %get3A_237 = tpu.vector_load %arg6[%get3A_236] {strides = array<i32>} : memref<2048xi32, #tpu.memory_space<vmem>>, vector<16xi32>,
        %gather3A_238 = tpu.vector_load_idx %arg5[%get3A_237] : memref<100000xf32, #tpu.memory_space<vmem>>[vector<16xi32>], vector<16xf32>,
        %mul3A_239 = arith.constant 16 : i32
        %mul3A_240 = arith.muli %scan3A_233, %mul3A_239 : i32
        %add3A_241 = arith.constant 4096 : i32
        %add3A_242 = arith.addi %add3A_241, %mul3A_240 : i32
        %swap3A_243 = arith.index_cast %add3A_242 : i32 to index
        %swap3A_244 = tpu.vector_load %arg8[%swap3A_243] {strides = array<i32>} : memref<16384xf32, #tpu.memory_space<vmem>>, vector<16xf32>,
        tpu.vector_store %arg8[%swap3A_243], %gather3A_238 {strides = array<i32>} : memref<16384xf32, #tpu.memory_space<vmem>>, vector<16xf32>,
        %scan3A_245 = arith.constant 0 : i32
        %scan3A_246 = arith.constant 5 : i32
        %scan3A_247 = arith.addi %scan3A_179, %scan3A_246 : i32
        %mul3A_248 = arith.constant 16 : i32
        %mul3A_249 = arith.muli %scan3A_247, %mul3A_248 : i32
        %get3A_250 = arith.index_cast %mul3A_249 : i32 to index
        %get3A_251 = tpu.vector_load %arg6[%get3A_250] {strides = array<i32>} : memref<2048xi32, #tpu.memory_space<vmem>>, vector<16xi32>,
        %gather3A_252 = tpu.vector_load_idx %arg5[%get3A_251] : memref<100000xf32, #tpu.memory_space<vmem>>[vector<16xi32>], vector<16xf32>,
        %mul3A_253 = arith.constant 16 : i32
        %mul3A_254 = arith.muli %scan3A_247, %mul3A_253 : i32
        %add3A_255 = arith.constant 4096 : i32
        %add3A_256 = arith.addi %add3A_255, %mul3A_254 : i32
        %swap3A_257 = arith.index_cast %add3A_256 : i32 to index
        %swap3A_258 = tpu.vector_load %arg8[%swap3A_257] {strides = array<i32>} : memref<16384xf32, #tpu.memory_space<vmem>>, vector<16xf32>,
        tpu.vector_store %arg8[%swap3A_257], %gather3A_252 {strides = array<i32>} : memref<16384xf32, #tpu.memory_space<vmem>>, vector<16xf32>,
        %scan3A_259 = arith.constant 0 : i32
        %scan3A_260 = arith.constant 6 : i32
        %scan3A_261 = arith.addi %scan3A_179, %scan3A_260 : i32
        %mul3A_262 = arith.constant 16 : i32
        %mul3A_263 = arith.muli %scan3A_261, %mul3A_262 : i32
        %get3A_264 = arith.index_cast %mul3A_263 : i32 to index
        %get3A_265 = tpu.vector_load %arg6[%get3A_264] {strides = array<i32>} : memref<2048xi32, #tpu.memory_space<vmem>>, vector<16xi32>,
        %gather3A_266 = tpu.vector_load_idx %arg5[%get3A_265] : memref<100000xf32, #tpu.memory_space<vmem>>[vector<16xi32>], vector<16xf32>,
        %mul3A_267 = arith.constant 16 : i32
        %mul3A_268 = arith.muli %scan3A_261, %mul3A_267 : i32
        %add3A_269 = arith.constant 4096 : i32
        %add3A_270 = arith.addi %add3A_269, %mul3A_268 : i32
        %swap3A_271 = arith.index_cast %add3A_270 : i32 to index
        %swap3A_272 = tpu.vector_load %arg8[%swap3A_271] {strides = array<i32>} : memref<16384xf32, #tpu.memory_space<vmem>>, vector<16xf32>,
        tpu.vector_store %arg8[%swap3A_271], %gather3A_266 {strides = array<i32>} : memref<16384xf32, #tpu.memory_space<vmem>>, vector<16xf32>,
        %scan3A_273 = arith.constant 0 : i32
        %scan3A_274 = arith.constant 7 : i32
        %scan3A_275 = arith.addi %scan3A_179, %scan3A_274 : i32
        %mul3A_276 = arith.constant 16 : i32
        %mul3A_277 = arith.muli %scan3A_275, %mul3A_276 : i32
        %get3A_278 = arith.index_cast %mul3A_277 : i32 to index
        %get3A_279 = tpu.vector_load %arg6[%get3A_278] {strides = array<i32>} : memref<2048xi32, #tpu.memory_space<vmem>>, vector<16xi32>,
        %gather3A_280 = tpu.vector_load_idx %arg5[%get3A_279] : memref<100000xf32, #tpu.memory_space<vmem>>[vector<16xi32>], vector<16xf32>,
        %mul3A_281 = arith.constant 16 : i32
        %mul3A_282 = arith.muli %scan3A_275, %mul3A_281 : i32
        %add3A_283 = arith.constant 4096 : i32
        %add3A_284 = arith.addi %add3A_283, %mul3A_282 : i32
        %swap3A_285 = arith.index_cast %add3A_284 : i32 to index
        %swap3A_286 = tpu.vector_load %arg8[%swap3A_285] {strides = array<i32>} : memref<16384xf32, #tpu.memory_space<vmem>>, vector<16xf32>,
        tpu.vector_store %arg8[%swap3A_285], %gather3A_280 {strides = array<i32>} : memref<16384xf32, #tpu.memory_space<vmem>>, vector<16xf32>,
        %scan3A_287 = arith.constant 0 : i32
        scf.yield %scan3A_287 : i32
      }
      %scan3A_76 = arith.constant 128 : i32
      %dma_wait3A_77 = arith.constant 6144 : i32
      %dma_wait3A_78 = tpu.memref_slice %arg3[%select_n3A, %dma_wait3A_77] : memref<26x16384xi32, #tpu.memory_space<hbm>> -> memref<1x2048xi32, #tpu.memory_space<hbm>>
      %dma_wait3A_79 = tpu.memref_squeeze %dma_wait3A_78 : memref<1x2048xi32, #tpu.memory_space<hbm>> -> memref<2048xi32, #tpu.memory_space<hbm>>
      %dma_wait3A_80 = arith.constant 6144 : i32
      %dma_wait3A_81 = tpu.memref_slice %arg3[%select_n3A, %dma_wait3A_80] : memref<26x16384xi32, #tpu.memory_space<hbm>> -> memref<1x2048xi32, #tpu.memory_space<hbm>>
      %dma_wait3A_82 = tpu.memref_squeeze %dma_wait3A_81 : memref<1x2048xi32, #tpu.memory_space<hbm>> -> memref<2048xi32, #tpu.memory_space<hbm>>
      tpu.wait_dma2 semaphore(%arg10 : memref<!tpu.dma_semaphore, #tpu.memory_space<semaphore_mem>>) src(%dma_wait3A_82 : memref<2048xi32, #tpu.memory_space<hbm>>) dst(%arg7 : memref<2048xi32, #tpu.memory_space<vmem>>)
      %dma_start3A_83 = arith.constant 8192 : i32
      %dma_start3A_84 = tpu.memref_slice %arg3[%select_n3A, %dma_start3A_83] : memref<26x16384xi32, #tpu.memory_space<hbm>> -> memref<1x2048xi32, #tpu.memory_space<hbm>>
      %dma_start3A_85 = tpu.memref_squeeze %dma_start3A_84 : memref<1x2048xi32, #tpu.memory_space<hbm>> -> memref<2048xi32, #tpu.memory_space<hbm>>
      %dma_start3A_86 = arith.constant 8192 : i32
      %dma_start3A_87 = tpu.memref_slice %arg3[%select_n3A, %dma_start3A_86] : memref<26x16384xi32, #tpu.memory_space<hbm>> -> memref<1x2048xi32, #tpu.memory_space<hbm>>
      %dma_start3A_88 = tpu.memref_squeeze %dma_start3A_87 : memref<1x2048xi32, #tpu.memory_space<hbm>> -> memref<2048xi32, #tpu.memory_space<hbm>>
      tpu.enqueue_dma source(%dma_start3A_88 : memref<2048xi32, #tpu.memory_space<hbm>>) target(%arg6 : memref<2048xi32, #tpu.memory_space<vmem>>) target_semaphore(%arg10 : memref<!tpu.dma_semaphore, #tpu.memory_space<semaphore_mem>>)
      %scan3A_89 = arith.constant 0 : i32
      %scan3A_90 = arith.constant 0 : i32
      %scan3A_91 = arith.constant 128 : i32
      %scan3A_92 = arith.addi %scan3A_90, %scan3A_91 : i32
      %scan3A_93 = arith.constant 8 : i32
      %scan3A_94 = scf.for %scan3A_179 = %scan3A_90 to %scan3A_92 step %scan3A_93 iter_args(%scan3A_180 = %scan3A_89) -> (i32)  : i32 {
        %mul3A_181 = arith.constant 16 : i32
        %mul3A_182 = arith.muli %scan3A_179, %mul3A_181 : i32
        %get3A = arith.index_cast %mul3A_182 : i32 to index
        %get3A_183 = tpu.vector_load %arg7[%get3A] {strides = array<i32>} : memref<2048xi32, #tpu.memory_space<vmem>>, vector<16xi32>,
        %gather3A = tpu.vector_load_idx %arg5[%get3A_183] : memref<100000xf32, #tpu.memory_space<vmem>>[vector<16xi32>], vector<16xf32>,
        %mul3A_184 = arith.constant 16 : i32
        %mul3A_185 = arith.muli %scan3A_179, %mul3A_184 : i32
        %add3A_186 = arith.constant 6144 : i32
        %add3A_187 = arith.addi %add3A_186, %mul3A_185 : i32
        %swap3A = arith.index_cast %add3A_187 : i32 to index
        %swap3A_188 = tpu.vector_load %arg8[%swap3A] {strides = array<i32>} : memref<16384xf32, #tpu.memory_space<vmem>>, vector<16xf32>,
        tpu.vector_store %arg8[%swap3A], %gather3A {strides = array<i32>} : memref<16384xf32, #tpu.memory_space<vmem>>, vector<16xf32>,
        %scan3A_189 = arith.constant 0 : i32
        %scan3A_190 = arith.constant 1 : i32
        %scan3A_191 = arith.addi %scan3A_179, %scan3A_190 : i32
        %mul3A_192 = arith.constant 16 : i32
        %mul3A_193 = arith.muli %scan3A_191, %mul3A_192 : i32
        %get3A_194 = arith.index_cast %mul3A_193 : i32 to index
        %get3A_195 = tpu.vector_load %arg7[%get3A_194] {strides = array<i32>} : memref<2048xi32, #tpu.memory_space<vmem>>, vector<16xi32>,
        %gather3A_196 = tpu.vector_load_idx %arg5[%get3A_195] : memref<100000xf32, #tpu.memory_space<vmem>>[vector<16xi32>], vector<16xf32>,
        %mul3A_197 = arith.constant 16 : i32
        %mul3A_198 = arith.muli %scan3A_191, %mul3A_197 : i32
        %add3A_199 = arith.constant 6144 : i32
        %add3A_200 = arith.addi %add3A_199, %mul3A_198 : i32
        %swap3A_201 = arith.index_cast %add3A_200 : i32 to index
        %swap3A_202 = tpu.vector_load %arg8[%swap3A_201] {strides = array<i32>} : memref<16384xf32, #tpu.memory_space<vmem>>, vector<16xf32>,
        tpu.vector_store %arg8[%swap3A_201], %gather3A_196 {strides = array<i32>} : memref<16384xf32, #tpu.memory_space<vmem>>, vector<16xf32>,
        %scan3A_203 = arith.constant 0 : i32
        %scan3A_204 = arith.constant 2 : i32
        %scan3A_205 = arith.addi %scan3A_179, %scan3A_204 : i32
        %mul3A_206 = arith.constant 16 : i32
        %mul3A_207 = arith.muli %scan3A_205, %mul3A_206 : i32
        %get3A_208 = arith.index_cast %mul3A_207 : i32 to index
        %get3A_209 = tpu.vector_load %arg7[%get3A_208] {strides = array<i32>} : memref<2048xi32, #tpu.memory_space<vmem>>, vector<16xi32>,
        %gather3A_210 = tpu.vector_load_idx %arg5[%get3A_209] : memref<100000xf32, #tpu.memory_space<vmem>>[vector<16xi32>], vector<16xf32>,
        %mul3A_211 = arith.constant 16 : i32
        %mul3A_212 = arith.muli %scan3A_205, %mul3A_211 : i32
        %add3A_213 = arith.constant 6144 : i32
        %add3A_214 = arith.addi %add3A_213, %mul3A_212 : i32
        %swap3A_215 = arith.index_cast %add3A_214 : i32 to index
        %swap3A_216 = tpu.vector_load %arg8[%swap3A_215] {strides = array<i32>} : memref<16384xf32, #tpu.memory_space<vmem>>, vector<16xf32>,
        tpu.vector_store %arg8[%swap3A_215], %gather3A_210 {strides = array<i32>} : memref<16384xf32, #tpu.memory_space<vmem>>, vector<16xf32>,
        %scan3A_217 = arith.constant 0 : i32
        %scan3A_218 = arith.constant 3 : i32
        %scan3A_219 = arith.addi %scan3A_179, %scan3A_218 : i32
        %mul3A_220 = arith.constant 16 : i32
        %mul3A_221 = arith.muli %scan3A_219, %mul3A_220 : i32
        %get3A_222 = arith.index_cast %mul3A_221 : i32 to index
        %get3A_223 = tpu.vector_load %arg7[%get3A_222] {strides = array<i32>} : memref<2048xi32, #tpu.memory_space<vmem>>, vector<16xi32>,
        %gather3A_224 = tpu.vector_load_idx %arg5[%get3A_223] : memref<100000xf32, #tpu.memory_space<vmem>>[vector<16xi32>], vector<16xf32>,
        %mul3A_225 = arith.constant 16 : i32
        %mul3A_226 = arith.muli %scan3A_219, %mul3A_225 : i32
        %add3A_227 = arith.constant 6144 : i32
        %add3A_228 = arith.addi %add3A_227, %mul3A_226 : i32
        %swap3A_229 = arith.index_cast %add3A_228 : i32 to index
        %swap3A_230 = tpu.vector_load %arg8[%swap3A_229] {strides = array<i32>} : memref<16384xf32, #tpu.memory_space<vmem>>, vector<16xf32>,
        tpu.vector_store %arg8[%swap3A_229], %gather3A_224 {strides = array<i32>} : memref<16384xf32, #tpu.memory_space<vmem>>, vector<16xf32>,
        %scan3A_231 = arith.constant 0 : i32
        %scan3A_232 = arith.constant 4 : i32
        %scan3A_233 = arith.addi %scan3A_179, %scan3A_232 : i32
        %mul3A_234 = arith.constant 16 : i32
        %mul3A_235 = arith.muli %scan3A_233, %mul3A_234 : i32
        %get3A_236 = arith.index_cast %mul3A_235 : i32 to index
        %get3A_237 = tpu.vector_load %arg7[%get3A_236] {strides = array<i32>} : memref<2048xi32, #tpu.memory_space<vmem>>, vector<16xi32>,
        %gather3A_238 = tpu.vector_load_idx %arg5[%get3A_237] : memref<100000xf32, #tpu.memory_space<vmem>>[vector<16xi32>], vector<16xf32>,
        %mul3A_239 = arith.constant 16 : i32
        %mul3A_240 = arith.muli %scan3A_233, %mul3A_239 : i32
        %add3A_241 = arith.constant 6144 : i32
        %add3A_242 = arith.addi %add3A_241, %mul3A_240 : i32
        %swap3A_243 = arith.index_cast %add3A_242 : i32 to index
        %swap3A_244 = tpu.vector_load %arg8[%swap3A_243] {strides = array<i32>} : memref<16384xf32, #tpu.memory_space<vmem>>, vector<16xf32>,
        tpu.vector_store %arg8[%swap3A_243], %gather3A_238 {strides = array<i32>} : memref<16384xf32, #tpu.memory_space<vmem>>, vector<16xf32>,
        %scan3A_245 = arith.constant 0 : i32
        %scan3A_246 = arith.constant 5 : i32
        %scan3A_247 = arith.addi %scan3A_179, %scan3A_246 : i32
        %mul3A_248 = arith.constant 16 : i32
        %mul3A_249 = arith.muli %scan3A_247, %mul3A_248 : i32
        %get3A_250 = arith.index_cast %mul3A_249 : i32 to index
        %get3A_251 = tpu.vector_load %arg7[%get3A_250] {strides = array<i32>} : memref<2048xi32, #tpu.memory_space<vmem>>, vector<16xi32>,
        %gather3A_252 = tpu.vector_load_idx %arg5[%get3A_251] : memref<100000xf32, #tpu.memory_space<vmem>>[vector<16xi32>], vector<16xf32>,
        %mul3A_253 = arith.constant 16 : i32
        %mul3A_254 = arith.muli %scan3A_247, %mul3A_253 : i32
        %add3A_255 = arith.constant 6144 : i32
        %add3A_256 = arith.addi %add3A_255, %mul3A_254 : i32
        %swap3A_257 = arith.index_cast %add3A_256 : i32 to index
        %swap3A_258 = tpu.vector_load %arg8[%swap3A_257] {strides = array<i32>} : memref<16384xf32, #tpu.memory_space<vmem>>, vector<16xf32>,
        tpu.vector_store %arg8[%swap3A_257], %gather3A_252 {strides = array<i32>} : memref<16384xf32, #tpu.memory_space<vmem>>, vector<16xf32>,
        %scan3A_259 = arith.constant 0 : i32
        %scan3A_260 = arith.constant 6 : i32
        %scan3A_261 = arith.addi %scan3A_179, %scan3A_260 : i32
        %mul3A_262 = arith.constant 16 : i32
        %mul3A_263 = arith.muli %scan3A_261, %mul3A_262 : i32
        %get3A_264 = arith.index_cast %mul3A_263 : i32 to index
        %get3A_265 = tpu.vector_load %arg7[%get3A_264] {strides = array<i32>} : memref<2048xi32, #tpu.memory_space<vmem>>, vector<16xi32>,
        %gather3A_266 = tpu.vector_load_idx %arg5[%get3A_265] : memref<100000xf32, #tpu.memory_space<vmem>>[vector<16xi32>], vector<16xf32>,
        %mul3A_267 = arith.constant 16 : i32
        %mul3A_268 = arith.muli %scan3A_261, %mul3A_267 : i32
        %add3A_269 = arith.constant 6144 : i32
        %add3A_270 = arith.addi %add3A_269, %mul3A_268 : i32
        %swap3A_271 = arith.index_cast %add3A_270 : i32 to index
        %swap3A_272 = tpu.vector_load %arg8[%swap3A_271] {strides = array<i32>} : memref<16384xf32, #tpu.memory_space<vmem>>, vector<16xf32>,
        tpu.vector_store %arg8[%swap3A_271], %gather3A_266 {strides = array<i32>} : memref<16384xf32, #tpu.memory_space<vmem>>, vector<16xf32>,
        %scan3A_273 = arith.constant 0 : i32
        %scan3A_274 = arith.constant 7 : i32
        %scan3A_275 = arith.addi %scan3A_179, %scan3A_274 : i32
        %mul3A_276 = arith.constant 16 : i32
        %mul3A_277 = arith.muli %scan3A_275, %mul3A_276 : i32
        %get3A_278 = arith.index_cast %mul3A_277 : i32 to index
        %get3A_279 = tpu.vector_load %arg7[%get3A_278] {strides = array<i32>} : memref<2048xi32, #tpu.memory_space<vmem>>, vector<16xi32>,
        %gather3A_280 = tpu.vector_load_idx %arg5[%get3A_279] : memref<100000xf32, #tpu.memory_space<vmem>>[vector<16xi32>], vector<16xf32>,
        %mul3A_281 = arith.constant 16 : i32
        %mul3A_282 = arith.muli %scan3A_275, %mul3A_281 : i32
        %add3A_283 = arith.constant 6144 : i32
        %add3A_284 = arith.addi %add3A_283, %mul3A_282 : i32
        %swap3A_285 = arith.index_cast %add3A_284 : i32 to index
        %swap3A_286 = tpu.vector_load %arg8[%swap3A_285] {strides = array<i32>} : memref<16384xf32, #tpu.memory_space<vmem>>, vector<16xf32>,
        tpu.vector_store %arg8[%swap3A_285], %gather3A_280 {strides = array<i32>} : memref<16384xf32, #tpu.memory_space<vmem>>, vector<16xf32>,
        %scan3A_287 = arith.constant 0 : i32
        scf.yield %scan3A_287 : i32
      }
      %scan3A_95 = arith.constant 128 : i32
      %dma_wait3A_96 = arith.constant 8192 : i32
      %dma_wait3A_97 = tpu.memref_slice %arg3[%select_n3A, %dma_wait3A_96] : memref<26x16384xi32, #tpu.memory_space<hbm>> -> memref<1x2048xi32, #tpu.memory_space<hbm>>
      %dma_wait3A_98 = tpu.memref_squeeze %dma_wait3A_97 : memref<1x2048xi32, #tpu.memory_space<hbm>> -> memref<2048xi32, #tpu.memory_space<hbm>>
      %dma_wait3A_99 = arith.constant 8192 : i32
      %dma_wait3A_100 = tpu.memref_slice %arg3[%select_n3A, %dma_wait3A_99] : memref<26x16384xi32, #tpu.memory_space<hbm>> -> memref<1x2048xi32, #tpu.memory_space<hbm>>
      %dma_wait3A_101 = tpu.memref_squeeze %dma_wait3A_100 : memref<1x2048xi32, #tpu.memory_space<hbm>> -> memref<2048xi32, #tpu.memory_space<hbm>>
      tpu.wait_dma2 semaphore(%arg10 : memref<!tpu.dma_semaphore, #tpu.memory_space<semaphore_mem>>) src(%dma_wait3A_101 : memref<2048xi32, #tpu.memory_space<hbm>>) dst(%arg6 : memref<2048xi32, #tpu.memory_space<vmem>>)
      %dma_start3A_102 = arith.constant 10240 : i32
      %dma_start3A_103 = tpu.memref_slice %arg3[%select_n3A, %dma_start3A_102] : memref<26x16384xi32, #tpu.memory_space<hbm>> -> memref<1x2048xi32, #tpu.memory_space<hbm>>
      %dma_start3A_104 = tpu.memref_squeeze %dma_start3A_103 : memref<1x2048xi32, #tpu.memory_space<hbm>> -> memref<2048xi32, #tpu.memory_space<hbm>>
      %dma_start3A_105 = arith.constant 10240 : i32
      %dma_start3A_106 = tpu.memref_slice %arg3[%select_n3A, %dma_start3A_105] : memref<26x16384xi32, #tpu.memory_space<hbm>> -> memref<1x2048xi32, #tpu.memory_space<hbm>>
      %dma_start3A_107 = tpu.memref_squeeze %dma_start3A_106 : memref<1x2048xi32, #tpu.memory_space<hbm>> -> memref<2048xi32, #tpu.memory_space<hbm>>
      tpu.enqueue_dma source(%dma_start3A_107 : memref<2048xi32, #tpu.memory_space<hbm>>) target(%arg7 : memref<2048xi32, #tpu.memory_space<vmem>>) target_semaphore(%arg10 : memref<!tpu.dma_semaphore, #tpu.memory_space<semaphore_mem>>)
      %scan3A_108 = arith.constant 0 : i32
      %scan3A_109 = arith.constant 0 : i32
      %scan3A_110 = arith.constant 128 : i32
      %scan3A_111 = arith.addi %scan3A_109, %scan3A_110 : i32
      %scan3A_112 = arith.constant 8 : i32
      %scan3A_113 = scf.for %scan3A_179 = %scan3A_109 to %scan3A_111 step %scan3A_112 iter_args(%scan3A_180 = %scan3A_108) -> (i32)  : i32 {
        %mul3A_181 = arith.constant 16 : i32
        %mul3A_182 = arith.muli %scan3A_179, %mul3A_181 : i32
        %get3A = arith.index_cast %mul3A_182 : i32 to index
        %get3A_183 = tpu.vector_load %arg6[%get3A] {strides = array<i32>} : memref<2048xi32, #tpu.memory_space<vmem>>, vector<16xi32>,
        %gather3A = tpu.vector_load_idx %arg5[%get3A_183] : memref<100000xf32, #tpu.memory_space<vmem>>[vector<16xi32>], vector<16xf32>,
        %mul3A_184 = arith.constant 16 : i32
        %mul3A_185 = arith.muli %scan3A_179, %mul3A_184 : i32
        %add3A_186 = arith.constant 8192 : i32
        %add3A_187 = arith.addi %add3A_186, %mul3A_185 : i32
        %swap3A = arith.index_cast %add3A_187 : i32 to index
        %swap3A_188 = tpu.vector_load %arg8[%swap3A] {strides = array<i32>} : memref<16384xf32, #tpu.memory_space<vmem>>, vector<16xf32>,
        tpu.vector_store %arg8[%swap3A], %gather3A {strides = array<i32>} : memref<16384xf32, #tpu.memory_space<vmem>>, vector<16xf32>,
        %scan3A_189 = arith.constant 0 : i32
        %scan3A_190 = arith.constant 1 : i32
        %scan3A_191 = arith.addi %scan3A_179, %scan3A_190 : i32
        %mul3A_192 = arith.constant 16 : i32
        %mul3A_193 = arith.muli %scan3A_191, %mul3A_192 : i32
        %get3A_194 = arith.index_cast %mul3A_193 : i32 to index
        %get3A_195 = tpu.vector_load %arg6[%get3A_194] {strides = array<i32>} : memref<2048xi32, #tpu.memory_space<vmem>>, vector<16xi32>,
        %gather3A_196 = tpu.vector_load_idx %arg5[%get3A_195] : memref<100000xf32, #tpu.memory_space<vmem>>[vector<16xi32>], vector<16xf32>,
        %mul3A_197 = arith.constant 16 : i32
        %mul3A_198 = arith.muli %scan3A_191, %mul3A_197 : i32
        %add3A_199 = arith.constant 8192 : i32
        %add3A_200 = arith.addi %add3A_199, %mul3A_198 : i32
        %swap3A_201 = arith.index_cast %add3A_200 : i32 to index
        %swap3A_202 = tpu.vector_load %arg8[%swap3A_201] {strides = array<i32>} : memref<16384xf32, #tpu.memory_space<vmem>>, vector<16xf32>,
        tpu.vector_store %arg8[%swap3A_201], %gather3A_196 {strides = array<i32>} : memref<16384xf32, #tpu.memory_space<vmem>>, vector<16xf32>,
        %scan3A_203 = arith.constant 0 : i32
        %scan3A_204 = arith.constant 2 : i32
        %scan3A_205 = arith.addi %scan3A_179, %scan3A_204 : i32
        %mul3A_206 = arith.constant 16 : i32
        %mul3A_207 = arith.muli %scan3A_205, %mul3A_206 : i32
        %get3A_208 = arith.index_cast %mul3A_207 : i32 to index
        %get3A_209 = tpu.vector_load %arg6[%get3A_208] {strides = array<i32>} : memref<2048xi32, #tpu.memory_space<vmem>>, vector<16xi32>,
        %gather3A_210 = tpu.vector_load_idx %arg5[%get3A_209] : memref<100000xf32, #tpu.memory_space<vmem>>[vector<16xi32>], vector<16xf32>,
        %mul3A_211 = arith.constant 16 : i32
        %mul3A_212 = arith.muli %scan3A_205, %mul3A_211 : i32
        %add3A_213 = arith.constant 8192 : i32
        %add3A_214 = arith.addi %add3A_213, %mul3A_212 : i32
        %swap3A_215 = arith.index_cast %add3A_214 : i32 to index
        %swap3A_216 = tpu.vector_load %arg8[%swap3A_215] {strides = array<i32>} : memref<16384xf32, #tpu.memory_space<vmem>>, vector<16xf32>,
        tpu.vector_store %arg8[%swap3A_215], %gather3A_210 {strides = array<i32>} : memref<16384xf32, #tpu.memory_space<vmem>>, vector<16xf32>,
        %scan3A_217 = arith.constant 0 : i32
        %scan3A_218 = arith.constant 3 : i32
        %scan3A_219 = arith.addi %scan3A_179, %scan3A_218 : i32
        %mul3A_220 = arith.constant 16 : i32
        %mul3A_221 = arith.muli %scan3A_219, %mul3A_220 : i32
        %get3A_222 = arith.index_cast %mul3A_221 : i32 to index
        %get3A_223 = tpu.vector_load %arg6[%get3A_222] {strides = array<i32>} : memref<2048xi32, #tpu.memory_space<vmem>>, vector<16xi32>,
        %gather3A_224 = tpu.vector_load_idx %arg5[%get3A_223] : memref<100000xf32, #tpu.memory_space<vmem>>[vector<16xi32>], vector<16xf32>,
        %mul3A_225 = arith.constant 16 : i32
        %mul3A_226 = arith.muli %scan3A_219, %mul3A_225 : i32
        %add3A_227 = arith.constant 8192 : i32
        %add3A_228 = arith.addi %add3A_227, %mul3A_226 : i32
        %swap3A_229 = arith.index_cast %add3A_228 : i32 to index
        %swap3A_230 = tpu.vector_load %arg8[%swap3A_229] {strides = array<i32>} : memref<16384xf32, #tpu.memory_space<vmem>>, vector<16xf32>,
        tpu.vector_store %arg8[%swap3A_229], %gather3A_224 {strides = array<i32>} : memref<16384xf32, #tpu.memory_space<vmem>>, vector<16xf32>,
        %scan3A_231 = arith.constant 0 : i32
        %scan3A_232 = arith.constant 4 : i32
        %scan3A_233 = arith.addi %scan3A_179, %scan3A_232 : i32
        %mul3A_234 = arith.constant 16 : i32
        %mul3A_235 = arith.muli %scan3A_233, %mul3A_234 : i32
        %get3A_236 = arith.index_cast %mul3A_235 : i32 to index
        %get3A_237 = tpu.vector_load %arg6[%get3A_236] {strides = array<i32>} : memref<2048xi32, #tpu.memory_space<vmem>>, vector<16xi32>,
        %gather3A_238 = tpu.vector_load_idx %arg5[%get3A_237] : memref<100000xf32, #tpu.memory_space<vmem>>[vector<16xi32>], vector<16xf32>,
        %mul3A_239 = arith.constant 16 : i32
        %mul3A_240 = arith.muli %scan3A_233, %mul3A_239 : i32
        %add3A_241 = arith.constant 8192 : i32
        %add3A_242 = arith.addi %add3A_241, %mul3A_240 : i32
        %swap3A_243 = arith.index_cast %add3A_242 : i32 to index
        %swap3A_244 = tpu.vector_load %arg8[%swap3A_243] {strides = array<i32>} : memref<16384xf32, #tpu.memory_space<vmem>>, vector<16xf32>,
        tpu.vector_store %arg8[%swap3A_243], %gather3A_238 {strides = array<i32>} : memref<16384xf32, #tpu.memory_space<vmem>>, vector<16xf32>,
        %scan3A_245 = arith.constant 0 : i32
        %scan3A_246 = arith.constant 5 : i32
        %scan3A_247 = arith.addi %scan3A_179, %scan3A_246 : i32
        %mul3A_248 = arith.constant 16 : i32
        %mul3A_249 = arith.muli %scan3A_247, %mul3A_248 : i32
        %get3A_250 = arith.index_cast %mul3A_249 : i32 to index
        %get3A_251 = tpu.vector_load %arg6[%get3A_250] {strides = array<i32>} : memref<2048xi32, #tpu.memory_space<vmem>>, vector<16xi32>,
        %gather3A_252 = tpu.vector_load_idx %arg5[%get3A_251] : memref<100000xf32, #tpu.memory_space<vmem>>[vector<16xi32>], vector<16xf32>,
        %mul3A_253 = arith.constant 16 : i32
        %mul3A_254 = arith.muli %scan3A_247, %mul3A_253 : i32
        %add3A_255 = arith.constant 8192 : i32
        %add3A_256 = arith.addi %add3A_255, %mul3A_254 : i32
        %swap3A_257 = arith.index_cast %add3A_256 : i32 to index
        %swap3A_258 = tpu.vector_load %arg8[%swap3A_257] {strides = array<i32>} : memref<16384xf32, #tpu.memory_space<vmem>>, vector<16xf32>,
        tpu.vector_store %arg8[%swap3A_257], %gather3A_252 {strides = array<i32>} : memref<16384xf32, #tpu.memory_space<vmem>>, vector<16xf32>,
        %scan3A_259 = arith.constant 0 : i32
        %scan3A_260 = arith.constant 6 : i32
        %scan3A_261 = arith.addi %scan3A_179, %scan3A_260 : i32
        %mul3A_262 = arith.constant 16 : i32
        %mul3A_263 = arith.muli %scan3A_261, %mul3A_262 : i32
        %get3A_264 = arith.index_cast %mul3A_263 : i32 to index
        %get3A_265 = tpu.vector_load %arg6[%get3A_264] {strides = array<i32>} : memref<2048xi32, #tpu.memory_space<vmem>>, vector<16xi32>,
        %gather3A_266 = tpu.vector_load_idx %arg5[%get3A_265] : memref<100000xf32, #tpu.memory_space<vmem>>[vector<16xi32>], vector<16xf32>,
        %mul3A_267 = arith.constant 16 : i32
        %mul3A_268 = arith.muli %scan3A_261, %mul3A_267 : i32
        %add3A_269 = arith.constant 8192 : i32
        %add3A_270 = arith.addi %add3A_269, %mul3A_268 : i32
        %swap3A_271 = arith.index_cast %add3A_270 : i32 to index
        %swap3A_272 = tpu.vector_load %arg8[%swap3A_271] {strides = array<i32>} : memref<16384xf32, #tpu.memory_space<vmem>>, vector<16xf32>,
        tpu.vector_store %arg8[%swap3A_271], %gather3A_266 {strides = array<i32>} : memref<16384xf32, #tpu.memory_space<vmem>>, vector<16xf32>,
        %scan3A_273 = arith.constant 0 : i32
        %scan3A_274 = arith.constant 7 : i32
        %scan3A_275 = arith.addi %scan3A_179, %scan3A_274 : i32
        %mul3A_276 = arith.constant 16 : i32
        %mul3A_277 = arith.muli %scan3A_275, %mul3A_276 : i32
        %get3A_278 = arith.index_cast %mul3A_277 : i32 to index
        %get3A_279 = tpu.vector_load %arg6[%get3A_278] {strides = array<i32>} : memref<2048xi32, #tpu.memory_space<vmem>>, vector<16xi32>,
        %gather3A_280 = tpu.vector_load_idx %arg5[%get3A_279] : memref<100000xf32, #tpu.memory_space<vmem>>[vector<16xi32>], vector<16xf32>,
        %mul3A_281 = arith.constant 16 : i32
        %mul3A_282 = arith.muli %scan3A_275, %mul3A_281 : i32
        %add3A_283 = arith.constant 8192 : i32
        %add3A_284 = arith.addi %add3A_283, %mul3A_282 : i32
        %swap3A_285 = arith.index_cast %add3A_284 : i32 to index
        %swap3A_286 = tpu.vector_load %arg8[%swap3A_285] {strides = array<i32>} : memref<16384xf32, #tpu.memory_space<vmem>>, vector<16xf32>,
        tpu.vector_store %arg8[%swap3A_285], %gather3A_280 {strides = array<i32>} : memref<16384xf32, #tpu.memory_space<vmem>>, vector<16xf32>,
        %scan3A_287 = arith.constant 0 : i32
        scf.yield %scan3A_287 : i32
      }
      %scan3A_114 = arith.constant 128 : i32
      %dma_wait3A_115 = arith.constant 10240 : i32
      %dma_wait3A_116 = tpu.memref_slice %arg3[%select_n3A, %dma_wait3A_115] : memref<26x16384xi32, #tpu.memory_space<hbm>> -> memref<1x2048xi32, #tpu.memory_space<hbm>>
      %dma_wait3A_117 = tpu.memref_squeeze %dma_wait3A_116 : memref<1x2048xi32, #tpu.memory_space<hbm>> -> memref<2048xi32, #tpu.memory_space<hbm>>
      %dma_wait3A_118 = arith.constant 10240 : i32
      %dma_wait3A_119 = tpu.memref_slice %arg3[%select_n3A, %dma_wait3A_118] : memref<26x16384xi32, #tpu.memory_space<hbm>> -> memref<1x2048xi32, #tpu.memory_space<hbm>>
      %dma_wait3A_120 = tpu.memref_squeeze %dma_wait3A_119 : memref<1x2048xi32, #tpu.memory_space<hbm>> -> memref<2048xi32, #tpu.memory_space<hbm>>
      tpu.wait_dma2 semaphore(%arg10 : memref<!tpu.dma_semaphore, #tpu.memory_space<semaphore_mem>>) src(%dma_wait3A_120 : memref<2048xi32, #tpu.memory_space<hbm>>) dst(%arg7 : memref<2048xi32, #tpu.memory_space<vmem>>)
      %dma_start3A_121 = arith.constant 12288 : i32
      %dma_start3A_122 = tpu.memref_slice %arg3[%select_n3A, %dma_start3A_121] : memref<26x16384xi32, #tpu.memory_space<hbm>> -> memref<1x2048xi32, #tpu.memory_space<hbm>>
      %dma_start3A_123 = tpu.memref_squeeze %dma_start3A_122 : memref<1x2048xi32, #tpu.memory_space<hbm>> -> memref<2048xi32, #tpu.memory_space<hbm>>
      %dma_start3A_124 = arith.constant 12288 : i32
      %dma_start3A_125 = tpu.memref_slice %arg3[%select_n3A, %dma_start3A_124] : memref<26x16384xi32, #tpu.memory_space<hbm>> -> memref<1x2048xi32, #tpu.memory_space<hbm>>
      %dma_start3A_126 = tpu.memref_squeeze %dma_start3A_125 : memref<1x2048xi32, #tpu.memory_space<hbm>> -> memref<2048xi32, #tpu.memory_space<hbm>>
      tpu.enqueue_dma source(%dma_start3A_126 : memref<2048xi32, #tpu.memory_space<hbm>>) target(%arg6 : memref<2048xi32, #tpu.memory_space<vmem>>) target_semaphore(%arg10 : memref<!tpu.dma_semaphore, #tpu.memory_space<semaphore_mem>>)
      %scan3A_127 = arith.constant 0 : i32
      %scan3A_128 = arith.constant 0 : i32
      %scan3A_129 = arith.constant 128 : i32
      %scan3A_130 = arith.addi %scan3A_128, %scan3A_129 : i32
      %scan3A_131 = arith.constant 8 : i32
      %scan3A_132 = scf.for %scan3A_179 = %scan3A_128 to %scan3A_130 step %scan3A_131 iter_args(%scan3A_180 = %scan3A_127) -> (i32)  : i32 {
        %mul3A_181 = arith.constant 16 : i32
        %mul3A_182 = arith.muli %scan3A_179, %mul3A_181 : i32
        %get3A = arith.index_cast %mul3A_182 : i32 to index
        %get3A_183 = tpu.vector_load %arg7[%get3A] {strides = array<i32>} : memref<2048xi32, #tpu.memory_space<vmem>>, vector<16xi32>,
        %gather3A = tpu.vector_load_idx %arg5[%get3A_183] : memref<100000xf32, #tpu.memory_space<vmem>>[vector<16xi32>], vector<16xf32>,
        %mul3A_184 = arith.constant 16 : i32
        %mul3A_185 = arith.muli %scan3A_179, %mul3A_184 : i32
        %add3A_186 = arith.constant 10240 : i32
        %add3A_187 = arith.addi %add3A_186, %mul3A_185 : i32
        %swap3A = arith.index_cast %add3A_187 : i32 to index
        %swap3A_188 = tpu.vector_load %arg8[%swap3A] {strides = array<i32>} : memref<16384xf32, #tpu.memory_space<vmem>>, vector<16xf32>,
        tpu.vector_store %arg8[%swap3A], %gather3A {strides = array<i32>} : memref<16384xf32, #tpu.memory_space<vmem>>, vector<16xf32>,
        %scan3A_189 = arith.constant 0 : i32
        %scan3A_190 = arith.constant 1 : i32
        %scan3A_191 = arith.addi %scan3A_179, %scan3A_190 : i32
        %mul3A_192 = arith.constant 16 : i32
        %mul3A_193 = arith.muli %scan3A_191, %mul3A_192 : i32
        %get3A_194 = arith.index_cast %mul3A_193 : i32 to index
        %get3A_195 = tpu.vector_load %arg7[%get3A_194] {strides = array<i32>} : memref<2048xi32, #tpu.memory_space<vmem>>, vector<16xi32>,
        %gather3A_196 = tpu.vector_load_idx %arg5[%get3A_195] : memref<100000xf32, #tpu.memory_space<vmem>>[vector<16xi32>], vector<16xf32>,
        %mul3A_197 = arith.constant 16 : i32
        %mul3A_198 = arith.muli %scan3A_191, %mul3A_197 : i32
        %add3A_199 = arith.constant 10240 : i32
        %add3A_200 = arith.addi %add3A_199, %mul3A_198 : i32
        %swap3A_201 = arith.index_cast %add3A_200 : i32 to index
        %swap3A_202 = tpu.vector_load %arg8[%swap3A_201] {strides = array<i32>} : memref<16384xf32, #tpu.memory_space<vmem>>, vector<16xf32>,
        tpu.vector_store %arg8[%swap3A_201], %gather3A_196 {strides = array<i32>} : memref<16384xf32, #tpu.memory_space<vmem>>, vector<16xf32>,
        %scan3A_203 = arith.constant 0 : i32
        %scan3A_204 = arith.constant 2 : i32
        %scan3A_205 = arith.addi %scan3A_179, %scan3A_204 : i32
        %mul3A_206 = arith.constant 16 : i32
        %mul3A_207 = arith.muli %scan3A_205, %mul3A_206 : i32
        %get3A_208 = arith.index_cast %mul3A_207 : i32 to index
        %get3A_209 = tpu.vector_load %arg7[%get3A_208] {strides = array<i32>} : memref<2048xi32, #tpu.memory_space<vmem>>, vector<16xi32>,
        %gather3A_210 = tpu.vector_load_idx %arg5[%get3A_209] : memref<100000xf32, #tpu.memory_space<vmem>>[vector<16xi32>], vector<16xf32>,
        %mul3A_211 = arith.constant 16 : i32
        %mul3A_212 = arith.muli %scan3A_205, %mul3A_211 : i32
        %add3A_213 = arith.constant 10240 : i32
        %add3A_214 = arith.addi %add3A_213, %mul3A_212 : i32
        %swap3A_215 = arith.index_cast %add3A_214 : i32 to index
        %swap3A_216 = tpu.vector_load %arg8[%swap3A_215] {strides = array<i32>} : memref<16384xf32, #tpu.memory_space<vmem>>, vector<16xf32>,
        tpu.vector_store %arg8[%swap3A_215], %gather3A_210 {strides = array<i32>} : memref<16384xf32, #tpu.memory_space<vmem>>, vector<16xf32>,
        %scan3A_217 = arith.constant 0 : i32
        %scan3A_218 = arith.constant 3 : i32
        %scan3A_219 = arith.addi %scan3A_179, %scan3A_218 : i32
        %mul3A_220 = arith.constant 16 : i32
        %mul3A_221 = arith.muli %scan3A_219, %mul3A_220 : i32
        %get3A_222 = arith.index_cast %mul3A_221 : i32 to index
        %get3A_223 = tpu.vector_load %arg7[%get3A_222] {strides = array<i32>} : memref<2048xi32, #tpu.memory_space<vmem>>, vector<16xi32>,
        %gather3A_224 = tpu.vector_load_idx %arg5[%get3A_223] : memref<100000xf32, #tpu.memory_space<vmem>>[vector<16xi32>], vector<16xf32>,
        %mul3A_225 = arith.constant 16 : i32
        %mul3A_226 = arith.muli %scan3A_219, %mul3A_225 : i32
        %add3A_227 = arith.constant 10240 : i32
        %add3A_228 = arith.addi %add3A_227, %mul3A_226 : i32
        %swap3A_229 = arith.index_cast %add3A_228 : i32 to index
        %swap3A_230 = tpu.vector_load %arg8[%swap3A_229] {strides = array<i32>} : memref<16384xf32, #tpu.memory_space<vmem>>, vector<16xf32>,
        tpu.vector_store %arg8[%swap3A_229], %gather3A_224 {strides = array<i32>} : memref<16384xf32, #tpu.memory_space<vmem>>, vector<16xf32>,
        %scan3A_231 = arith.constant 0 : i32
        %scan3A_232 = arith.constant 4 : i32
        %scan3A_233 = arith.addi %scan3A_179, %scan3A_232 : i32
        %mul3A_234 = arith.constant 16 : i32
        %mul3A_235 = arith.muli %scan3A_233, %mul3A_234 : i32
        %get3A_236 = arith.index_cast %mul3A_235 : i32 to index
        %get3A_237 = tpu.vector_load %arg7[%get3A_236] {strides = array<i32>} : memref<2048xi32, #tpu.memory_space<vmem>>, vector<16xi32>,
        %gather3A_238 = tpu.vector_load_idx %arg5[%get3A_237] : memref<100000xf32, #tpu.memory_space<vmem>>[vector<16xi32>], vector<16xf32>,
        %mul3A_239 = arith.constant 16 : i32
        %mul3A_240 = arith.muli %scan3A_233, %mul3A_239 : i32
        %add3A_241 = arith.constant 10240 : i32
        %add3A_242 = arith.addi %add3A_241, %mul3A_240 : i32
        %swap3A_243 = arith.index_cast %add3A_242 : i32 to index
        %swap3A_244 = tpu.vector_load %arg8[%swap3A_243] {strides = array<i32>} : memref<16384xf32, #tpu.memory_space<vmem>>, vector<16xf32>,
        tpu.vector_store %arg8[%swap3A_243], %gather3A_238 {strides = array<i32>} : memref<16384xf32, #tpu.memory_space<vmem>>, vector<16xf32>,
        %scan3A_245 = arith.constant 0 : i32
        %scan3A_246 = arith.constant 5 : i32
        %scan3A_247 = arith.addi %scan3A_179, %scan3A_246 : i32
        %mul3A_248 = arith.constant 16 : i32
        %mul3A_249 = arith.muli %scan3A_247, %mul3A_248 : i32
        %get3A_250 = arith.index_cast %mul3A_249 : i32 to index
        %get3A_251 = tpu.vector_load %arg7[%get3A_250] {strides = array<i32>} : memref<2048xi32, #tpu.memory_space<vmem>>, vector<16xi32>,
        %gather3A_252 = tpu.vector_load_idx %arg5[%get3A_251] : memref<100000xf32, #tpu.memory_space<vmem>>[vector<16xi32>], vector<16xf32>,
        %mul3A_253 = arith.constant 16 : i32
        %mul3A_254 = arith.muli %scan3A_247, %mul3A_253 : i32
        %add3A_255 = arith.constant 10240 : i32
        %add3A_256 = arith.addi %add3A_255, %mul3A_254 : i32
        %swap3A_257 = arith.index_cast %add3A_256 : i32 to index
        %swap3A_258 = tpu.vector_load %arg8[%swap3A_257] {strides = array<i32>} : memref<16384xf32, #tpu.memory_space<vmem>>, vector<16xf32>,
        tpu.vector_store %arg8[%swap3A_257], %gather3A_252 {strides = array<i32>} : memref<16384xf32, #tpu.memory_space<vmem>>, vector<16xf32>,
        %scan3A_259 = arith.constant 0 : i32
        %scan3A_260 = arith.constant 6 : i32
        %scan3A_261 = arith.addi %scan3A_179, %scan3A_260 : i32
        %mul3A_262 = arith.constant 16 : i32
        %mul3A_263 = arith.muli %scan3A_261, %mul3A_262 : i32
        %get3A_264 = arith.index_cast %mul3A_263 : i32 to index
        %get3A_265 = tpu.vector_load %arg7[%get3A_264] {strides = array<i32>} : memref<2048xi32, #tpu.memory_space<vmem>>, vector<16xi32>,
        %gather3A_266 = tpu.vector_load_idx %arg5[%get3A_265] : memref<100000xf32, #tpu.memory_space<vmem>>[vector<16xi32>], vector<16xf32>,
        %mul3A_267 = arith.constant 16 : i32
        %mul3A_268 = arith.muli %scan3A_261, %mul3A_267 : i32
        %add3A_269 = arith.constant 10240 : i32
        %add3A_270 = arith.addi %add3A_269, %mul3A_268 : i32
        %swap3A_271 = arith.index_cast %add3A_270 : i32 to index
        %swap3A_272 = tpu.vector_load %arg8[%swap3A_271] {strides = array<i32>} : memref<16384xf32, #tpu.memory_space<vmem>>, vector<16xf32>,
        tpu.vector_store %arg8[%swap3A_271], %gather3A_266 {strides = array<i32>} : memref<16384xf32, #tpu.memory_space<vmem>>, vector<16xf32>,
        %scan3A_273 = arith.constant 0 : i32
        %scan3A_274 = arith.constant 7 : i32
        %scan3A_275 = arith.addi %scan3A_179, %scan3A_274 : i32
        %mul3A_276 = arith.constant 16 : i32
        %mul3A_277 = arith.muli %scan3A_275, %mul3A_276 : i32
        %get3A_278 = arith.index_cast %mul3A_277 : i32 to index
        %get3A_279 = tpu.vector_load %arg7[%get3A_278] {strides = array<i32>} : memref<2048xi32, #tpu.memory_space<vmem>>, vector<16xi32>,
        %gather3A_280 = tpu.vector_load_idx %arg5[%get3A_279] : memref<100000xf32, #tpu.memory_space<vmem>>[vector<16xi32>], vector<16xf32>,
        %mul3A_281 = arith.constant 16 : i32
        %mul3A_282 = arith.muli %scan3A_275, %mul3A_281 : i32
        %add3A_283 = arith.constant 10240 : i32
        %add3A_284 = arith.addi %add3A_283, %mul3A_282 : i32
        %swap3A_285 = arith.index_cast %add3A_284 : i32 to index
        %swap3A_286 = tpu.vector_load %arg8[%swap3A_285] {strides = array<i32>} : memref<16384xf32, #tpu.memory_space<vmem>>, vector<16xf32>,
        tpu.vector_store %arg8[%swap3A_285], %gather3A_280 {strides = array<i32>} : memref<16384xf32, #tpu.memory_space<vmem>>, vector<16xf32>,
        %scan3A_287 = arith.constant 0 : i32
        scf.yield %scan3A_287 : i32
      }
      %scan3A_133 = arith.constant 128 : i32
      %dma_wait3A_134 = arith.constant 12288 : i32
      %dma_wait3A_135 = tpu.memref_slice %arg3[%select_n3A, %dma_wait3A_134] : memref<26x16384xi32, #tpu.memory_space<hbm>> -> memref<1x2048xi32, #tpu.memory_space<hbm>>
      %dma_wait3A_136 = tpu.memref_squeeze %dma_wait3A_135 : memref<1x2048xi32, #tpu.memory_space<hbm>> -> memref<2048xi32, #tpu.memory_space<hbm>>
      %dma_wait3A_137 = arith.constant 12288 : i32
      %dma_wait3A_138 = tpu.memref_slice %arg3[%select_n3A, %dma_wait3A_137] : memref<26x16384xi32, #tpu.memory_space<hbm>> -> memref<1x2048xi32, #tpu.memory_space<hbm>>
      %dma_wait3A_139 = tpu.memref_squeeze %dma_wait3A_138 : memref<1x2048xi32, #tpu.memory_space<hbm>> -> memref<2048xi32, #tpu.memory_space<hbm>>
      tpu.wait_dma2 semaphore(%arg10 : memref<!tpu.dma_semaphore, #tpu.memory_space<semaphore_mem>>) src(%dma_wait3A_139 : memref<2048xi32, #tpu.memory_space<hbm>>) dst(%arg6 : memref<2048xi32, #tpu.memory_space<vmem>>)
      %dma_start3A_140 = arith.constant 14336 : i32
      %dma_start3A_141 = tpu.memref_slice %arg3[%select_n3A, %dma_start3A_140] : memref<26x16384xi32, #tpu.memory_space<hbm>> -> memref<1x2048xi32, #tpu.memory_space<hbm>>
      %dma_start3A_142 = tpu.memref_squeeze %dma_start3A_141 : memref<1x2048xi32, #tpu.memory_space<hbm>> -> memref<2048xi32, #tpu.memory_space<hbm>>
      %dma_start3A_143 = arith.constant 14336 : i32
      %dma_start3A_144 = tpu.memref_slice %arg3[%select_n3A, %dma_start3A_143] : memref<26x16384xi32, #tpu.memory_space<hbm>> -> memref<1x2048xi32, #tpu.memory_space<hbm>>
      %dma_start3A_145 = tpu.memref_squeeze %dma_start3A_144 : memref<1x2048xi32, #tpu.memory_space<hbm>> -> memref<2048xi32, #tpu.memory_space<hbm>>
      tpu.enqueue_dma source(%dma_start3A_145 : memref<2048xi32, #tpu.memory_space<hbm>>) target(%arg7 : memref<2048xi32, #tpu.memory_space<vmem>>) target_semaphore(%arg10 : memref<!tpu.dma_semaphore, #tpu.memory_space<semaphore_mem>>)
      %scan3A_146 = arith.constant 0 : i32
      %scan3A_147 = arith.constant 0 : i32
      %scan3A_148 = arith.constant 128 : i32
      %scan3A_149 = arith.addi %scan3A_147, %scan3A_148 : i32
      %scan3A_150 = arith.constant 8 : i32
      %scan3A_151 = scf.for %scan3A_179 = %scan3A_147 to %scan3A_149 step %scan3A_150 iter_args(%scan3A_180 = %scan3A_146) -> (i32)  : i32 {
        %mul3A_181 = arith.constant 16 : i32
        %mul3A_182 = arith.muli %scan3A_179, %mul3A_181 : i32
        %get3A = arith.index_cast %mul3A_182 : i32 to index
        %get3A_183 = tpu.vector_load %arg6[%get3A] {strides = array<i32>} : memref<2048xi32, #tpu.memory_space<vmem>>, vector<16xi32>,
        %gather3A = tpu.vector_load_idx %arg5[%get3A_183] : memref<100000xf32, #tpu.memory_space<vmem>>[vector<16xi32>], vector<16xf32>,
        %mul3A_184 = arith.constant 16 : i32
        %mul3A_185 = arith.muli %scan3A_179, %mul3A_184 : i32
        %add3A_186 = arith.constant 12288 : i32
        %add3A_187 = arith.addi %add3A_186, %mul3A_185 : i32
        %swap3A = arith.index_cast %add3A_187 : i32 to index
        %swap3A_188 = tpu.vector_load %arg8[%swap3A] {strides = array<i32>} : memref<16384xf32, #tpu.memory_space<vmem>>, vector<16xf32>,
        tpu.vector_store %arg8[%swap3A], %gather3A {strides = array<i32>} : memref<16384xf32, #tpu.memory_space<vmem>>, vector<16xf32>,
        %scan3A_189 = arith.constant 0 : i32
        %scan3A_190 = arith.constant 1 : i32
        %scan3A_191 = arith.addi %scan3A_179, %scan3A_190 : i32
        %mul3A_192 = arith.constant 16 : i32
        %mul3A_193 = arith.muli %scan3A_191, %mul3A_192 : i32
        %get3A_194 = arith.index_cast %mul3A_193 : i32 to index
        %get3A_195 = tpu.vector_load %arg6[%get3A_194] {strides = array<i32>} : memref<2048xi32, #tpu.memory_space<vmem>>, vector<16xi32>,
        %gather3A_196 = tpu.vector_load_idx %arg5[%get3A_195] : memref<100000xf32, #tpu.memory_space<vmem>>[vector<16xi32>], vector<16xf32>,
        %mul3A_197 = arith.constant 16 : i32
        %mul3A_198 = arith.muli %scan3A_191, %mul3A_197 : i32
        %add3A_199 = arith.constant 12288 : i32
        %add3A_200 = arith.addi %add3A_199, %mul3A_198 : i32
        %swap3A_201 = arith.index_cast %add3A_200 : i32 to index
        %swap3A_202 = tpu.vector_load %arg8[%swap3A_201] {strides = array<i32>} : memref<16384xf32, #tpu.memory_space<vmem>>, vector<16xf32>,
        tpu.vector_store %arg8[%swap3A_201], %gather3A_196 {strides = array<i32>} : memref<16384xf32, #tpu.memory_space<vmem>>, vector<16xf32>,
        %scan3A_203 = arith.constant 0 : i32
        %scan3A_204 = arith.constant 2 : i32
        %scan3A_205 = arith.addi %scan3A_179, %scan3A_204 : i32
        %mul3A_206 = arith.constant 16 : i32
        %mul3A_207 = arith.muli %scan3A_205, %mul3A_206 : i32
        %get3A_208 = arith.index_cast %mul3A_207 : i32 to index
        %get3A_209 = tpu.vector_load %arg6[%get3A_208] {strides = array<i32>} : memref<2048xi32, #tpu.memory_space<vmem>>, vector<16xi32>,
        %gather3A_210 = tpu.vector_load_idx %arg5[%get3A_209] : memref<100000xf32, #tpu.memory_space<vmem>>[vector<16xi32>], vector<16xf32>,
        %mul3A_211 = arith.constant 16 : i32
        %mul3A_212 = arith.muli %scan3A_205, %mul3A_211 : i32
        %add3A_213 = arith.constant 12288 : i32
        %add3A_214 = arith.addi %add3A_213, %mul3A_212 : i32
        %swap3A_215 = arith.index_cast %add3A_214 : i32 to index
        %swap3A_216 = tpu.vector_load %arg8[%swap3A_215] {strides = array<i32>} : memref<16384xf32, #tpu.memory_space<vmem>>, vector<16xf32>,
        tpu.vector_store %arg8[%swap3A_215], %gather3A_210 {strides = array<i32>} : memref<16384xf32, #tpu.memory_space<vmem>>, vector<16xf32>,
        %scan3A_217 = arith.constant 0 : i32
        %scan3A_218 = arith.constant 3 : i32
        %scan3A_219 = arith.addi %scan3A_179, %scan3A_218 : i32
        %mul3A_220 = arith.constant 16 : i32
        %mul3A_221 = arith.muli %scan3A_219, %mul3A_220 : i32
        %get3A_222 = arith.index_cast %mul3A_221 : i32 to index
        %get3A_223 = tpu.vector_load %arg6[%get3A_222] {strides = array<i32>} : memref<2048xi32, #tpu.memory_space<vmem>>, vector<16xi32>,
        %gather3A_224 = tpu.vector_load_idx %arg5[%get3A_223] : memref<100000xf32, #tpu.memory_space<vmem>>[vector<16xi32>], vector<16xf32>,
        %mul3A_225 = arith.constant 16 : i32
        %mul3A_226 = arith.muli %scan3A_219, %mul3A_225 : i32
        %add3A_227 = arith.constant 12288 : i32
        %add3A_228 = arith.addi %add3A_227, %mul3A_226 : i32
        %swap3A_229 = arith.index_cast %add3A_228 : i32 to index
        %swap3A_230 = tpu.vector_load %arg8[%swap3A_229] {strides = array<i32>} : memref<16384xf32, #tpu.memory_space<vmem>>, vector<16xf32>,
        tpu.vector_store %arg8[%swap3A_229], %gather3A_224 {strides = array<i32>} : memref<16384xf32, #tpu.memory_space<vmem>>, vector<16xf32>,
        %scan3A_231 = arith.constant 0 : i32
        %scan3A_232 = arith.constant 4 : i32
        %scan3A_233 = arith.addi %scan3A_179, %scan3A_232 : i32
        %mul3A_234 = arith.constant 16 : i32
        %mul3A_235 = arith.muli %scan3A_233, %mul3A_234 : i32
        %get3A_236 = arith.index_cast %mul3A_235 : i32 to index
        %get3A_237 = tpu.vector_load %arg6[%get3A_236] {strides = array<i32>} : memref<2048xi32, #tpu.memory_space<vmem>>, vector<16xi32>,
        %gather3A_238 = tpu.vector_load_idx %arg5[%get3A_237] : memref<100000xf32, #tpu.memory_space<vmem>>[vector<16xi32>], vector<16xf32>,
        %mul3A_239 = arith.constant 16 : i32
        %mul3A_240 = arith.muli %scan3A_233, %mul3A_239 : i32
        %add3A_241 = arith.constant 12288 : i32
        %add3A_242 = arith.addi %add3A_241, %mul3A_240 : i32
        %swap3A_243 = arith.index_cast %add3A_242 : i32 to index
        %swap3A_244 = tpu.vector_load %arg8[%swap3A_243] {strides = array<i32>} : memref<16384xf32, #tpu.memory_space<vmem>>, vector<16xf32>,
        tpu.vector_store %arg8[%swap3A_243], %gather3A_238 {strides = array<i32>} : memref<16384xf32, #tpu.memory_space<vmem>>, vector<16xf32>,
        %scan3A_245 = arith.constant 0 : i32
        %scan3A_246 = arith.constant 5 : i32
        %scan3A_247 = arith.addi %scan3A_179, %scan3A_246 : i32
        %mul3A_248 = arith.constant 16 : i32
        %mul3A_249 = arith.muli %scan3A_247, %mul3A_248 : i32
        %get3A_250 = arith.index_cast %mul3A_249 : i32 to index
        %get3A_251 = tpu.vector_load %arg6[%get3A_250] {strides = array<i32>} : memref<2048xi32, #tpu.memory_space<vmem>>, vector<16xi32>,
        %gather3A_252 = tpu.vector_load_idx %arg5[%get3A_251] : memref<100000xf32, #tpu.memory_space<vmem>>[vector<16xi32>], vector<16xf32>,
        %mul3A_253 = arith.constant 16 : i32
        %mul3A_254 = arith.muli %scan3A_247, %mul3A_253 : i32
        %add3A_255 = arith.constant 12288 : i32
        %add3A_256 = arith.addi %add3A_255, %mul3A_254 : i32
        %swap3A_257 = arith.index_cast %add3A_256 : i32 to index
        %swap3A_258 = tpu.vector_load %arg8[%swap3A_257] {strides = array<i32>} : memref<16384xf32, #tpu.memory_space<vmem>>, vector<16xf32>,
        tpu.vector_store %arg8[%swap3A_257], %gather3A_252 {strides = array<i32>} : memref<16384xf32, #tpu.memory_space<vmem>>, vector<16xf32>,
        %scan3A_259 = arith.constant 0 : i32
        %scan3A_260 = arith.constant 6 : i32
        %scan3A_261 = arith.addi %scan3A_179, %scan3A_260 : i32
        %mul3A_262 = arith.constant 16 : i32
        %mul3A_263 = arith.muli %scan3A_261, %mul3A_262 : i32
        %get3A_264 = arith.index_cast %mul3A_263 : i32 to index
        %get3A_265 = tpu.vector_load %arg6[%get3A_264] {strides = array<i32>} : memref<2048xi32, #tpu.memory_space<vmem>>, vector<16xi32>,
        %gather3A_266 = tpu.vector_load_idx %arg5[%get3A_265] : memref<100000xf32, #tpu.memory_space<vmem>>[vector<16xi32>], vector<16xf32>,
        %mul3A_267 = arith.constant 16 : i32
        %mul3A_268 = arith.muli %scan3A_261, %mul3A_267 : i32
        %add3A_269 = arith.constant 12288 : i32
        %add3A_270 = arith.addi %add3A_269, %mul3A_268 : i32
        %swap3A_271 = arith.index_cast %add3A_270 : i32 to index
        %swap3A_272 = tpu.vector_load %arg8[%swap3A_271] {strides = array<i32>} : memref<16384xf32, #tpu.memory_space<vmem>>, vector<16xf32>,
        tpu.vector_store %arg8[%swap3A_271], %gather3A_266 {strides = array<i32>} : memref<16384xf32, #tpu.memory_space<vmem>>, vector<16xf32>,
        %scan3A_273 = arith.constant 0 : i32
        %scan3A_274 = arith.constant 7 : i32
        %scan3A_275 = arith.addi %scan3A_179, %scan3A_274 : i32
        %mul3A_276 = arith.constant 16 : i32
        %mul3A_277 = arith.muli %scan3A_275, %mul3A_276 : i32
        %get3A_278 = arith.index_cast %mul3A_277 : i32 to index
        %get3A_279 = tpu.vector_load %arg6[%get3A_278] {strides = array<i32>} : memref<2048xi32, #tpu.memory_space<vmem>>, vector<16xi32>,
        %gather3A_280 = tpu.vector_load_idx %arg5[%get3A_279] : memref<100000xf32, #tpu.memory_space<vmem>>[vector<16xi32>], vector<16xf32>,
        %mul3A_281 = arith.constant 16 : i32
        %mul3A_282 = arith.muli %scan3A_275, %mul3A_281 : i32
        %add3A_283 = arith.constant 12288 : i32
        %add3A_284 = arith.addi %add3A_283, %mul3A_282 : i32
        %swap3A_285 = arith.index_cast %add3A_284 : i32 to index
        %swap3A_286 = tpu.vector_load %arg8[%swap3A_285] {strides = array<i32>} : memref<16384xf32, #tpu.memory_space<vmem>>, vector<16xf32>,
        tpu.vector_store %arg8[%swap3A_285], %gather3A_280 {strides = array<i32>} : memref<16384xf32, #tpu.memory_space<vmem>>, vector<16xf32>,
        %scan3A_287 = arith.constant 0 : i32
        scf.yield %scan3A_287 : i32
      }
      %scan3A_152 = arith.constant 128 : i32
      %dma_wait3A_153 = arith.constant 14336 : i32
      %dma_wait3A_154 = tpu.memref_slice %arg3[%select_n3A, %dma_wait3A_153] : memref<26x16384xi32, #tpu.memory_space<hbm>> -> memref<1x2048xi32, #tpu.memory_space<hbm>>
      %dma_wait3A_155 = tpu.memref_squeeze %dma_wait3A_154 : memref<1x2048xi32, #tpu.memory_space<hbm>> -> memref<2048xi32, #tpu.memory_space<hbm>>
      %dma_wait3A_156 = arith.constant 14336 : i32
      %dma_wait3A_157 = tpu.memref_slice %arg3[%select_n3A, %dma_wait3A_156] : memref<26x16384xi32, #tpu.memory_space<hbm>> -> memref<1x2048xi32, #tpu.memory_space<hbm>>
      %dma_wait3A_158 = tpu.memref_squeeze %dma_wait3A_157 : memref<1x2048xi32, #tpu.memory_space<hbm>> -> memref<2048xi32, #tpu.memory_space<hbm>>
      tpu.wait_dma2 semaphore(%arg10 : memref<!tpu.dma_semaphore, #tpu.memory_space<semaphore_mem>>) src(%dma_wait3A_158 : memref<2048xi32, #tpu.memory_space<hbm>>) dst(%arg7 : memref<2048xi32, #tpu.memory_space<vmem>>)
      %scan3A_159 = arith.constant 0 : i32
      %scan3A_160 = arith.constant 0 : i32
      %scan3A_161 = arith.constant 128 : i32
      %scan3A_162 = arith.addi %scan3A_160, %scan3A_161 : i32
      %scan3A_163 = arith.constant 8 : i32
      %scan3A_164 = scf.for %scan3A_179 = %scan3A_160 to %scan3A_162 step %scan3A_163 iter_args(%scan3A_180 = %scan3A_159) -> (i32)  : i32 {
        %mul3A_181 = arith.constant 16 : i32
        %mul3A_182 = arith.muli %scan3A_179, %mul3A_181 : i32
        %get3A = arith.index_cast %mul3A_182 : i32 to index
        %get3A_183 = tpu.vector_load %arg7[%get3A] {strides = array<i32>} : memref<2048xi32, #tpu.memory_space<vmem>>, vector<16xi32>,
        %gather3A = tpu.vector_load_idx %arg5[%get3A_183] : memref<100000xf32, #tpu.memory_space<vmem>>[vector<16xi32>], vector<16xf32>,
        %mul3A_184 = arith.constant 16 : i32
        %mul3A_185 = arith.muli %scan3A_179, %mul3A_184 : i32
        %add3A_186 = arith.constant 14336 : i32
        %add3A_187 = arith.addi %add3A_186, %mul3A_185 : i32
        %swap3A = arith.index_cast %add3A_187 : i32 to index
        %swap3A_188 = tpu.vector_load %arg8[%swap3A] {strides = array<i32>} : memref<16384xf32, #tpu.memory_space<vmem>>, vector<16xf32>,
        tpu.vector_store %arg8[%swap3A], %gather3A {strides = array<i32>} : memref<16384xf32, #tpu.memory_space<vmem>>, vector<16xf32>,
        %scan3A_189 = arith.constant 0 : i32
        %scan3A_190 = arith.constant 1 : i32
        %scan3A_191 = arith.addi %scan3A_179, %scan3A_190 : i32
        %mul3A_192 = arith.constant 16 : i32
        %mul3A_193 = arith.muli %scan3A_191, %mul3A_192 : i32
        %get3A_194 = arith.index_cast %mul3A_193 : i32 to index
        %get3A_195 = tpu.vector_load %arg7[%get3A_194] {strides = array<i32>} : memref<2048xi32, #tpu.memory_space<vmem>>, vector<16xi32>,
        %gather3A_196 = tpu.vector_load_idx %arg5[%get3A_195] : memref<100000xf32, #tpu.memory_space<vmem>>[vector<16xi32>], vector<16xf32>,
        %mul3A_197 = arith.constant 16 : i32
        %mul3A_198 = arith.muli %scan3A_191, %mul3A_197 : i32
        %add3A_199 = arith.constant 14336 : i32
        %add3A_200 = arith.addi %add3A_199, %mul3A_198 : i32
        %swap3A_201 = arith.index_cast %add3A_200 : i32 to index
        %swap3A_202 = tpu.vector_load %arg8[%swap3A_201] {strides = array<i32>} : memref<16384xf32, #tpu.memory_space<vmem>>, vector<16xf32>,
        tpu.vector_store %arg8[%swap3A_201], %gather3A_196 {strides = array<i32>} : memref<16384xf32, #tpu.memory_space<vmem>>, vector<16xf32>,
        %scan3A_203 = arith.constant 0 : i32
        %scan3A_204 = arith.constant 2 : i32
        %scan3A_205 = arith.addi %scan3A_179, %scan3A_204 : i32
        %mul3A_206 = arith.constant 16 : i32
        %mul3A_207 = arith.muli %scan3A_205, %mul3A_206 : i32
        %get3A_208 = arith.index_cast %mul3A_207 : i32 to index
        %get3A_209 = tpu.vector_load %arg7[%get3A_208] {strides = array<i32>} : memref<2048xi32, #tpu.memory_space<vmem>>, vector<16xi32>,
        %gather3A_210 = tpu.vector_load_idx %arg5[%get3A_209] : memref<100000xf32, #tpu.memory_space<vmem>>[vector<16xi32>], vector<16xf32>,
        %mul3A_211 = arith.constant 16 : i32
        %mul3A_212 = arith.muli %scan3A_205, %mul3A_211 : i32
        %add3A_213 = arith.constant 14336 : i32
        %add3A_214 = arith.addi %add3A_213, %mul3A_212 : i32
        %swap3A_215 = arith.index_cast %add3A_214 : i32 to index
        %swap3A_216 = tpu.vector_load %arg8[%swap3A_215] {strides = array<i32>} : memref<16384xf32, #tpu.memory_space<vmem>>, vector<16xf32>,
        tpu.vector_store %arg8[%swap3A_215], %gather3A_210 {strides = array<i32>} : memref<16384xf32, #tpu.memory_space<vmem>>, vector<16xf32>,
        %scan3A_217 = arith.constant 0 : i32
        %scan3A_218 = arith.constant 3 : i32
        %scan3A_219 = arith.addi %scan3A_179, %scan3A_218 : i32
        %mul3A_220 = arith.constant 16 : i32
        %mul3A_221 = arith.muli %scan3A_219, %mul3A_220 : i32
        %get3A_222 = arith.index_cast %mul3A_221 : i32 to index
        %get3A_223 = tpu.vector_load %arg7[%get3A_222] {strides = array<i32>} : memref<2048xi32, #tpu.memory_space<vmem>>, vector<16xi32>,
        %gather3A_224 = tpu.vector_load_idx %arg5[%get3A_223] : memref<100000xf32, #tpu.memory_space<vmem>>[vector<16xi32>], vector<16xf32>,
        %mul3A_225 = arith.constant 16 : i32
        %mul3A_226 = arith.muli %scan3A_219, %mul3A_225 : i32
        %add3A_227 = arith.constant 14336 : i32
        %add3A_228 = arith.addi %add3A_227, %mul3A_226 : i32
        %swap3A_229 = arith.index_cast %add3A_228 : i32 to index
        %swap3A_230 = tpu.vector_load %arg8[%swap3A_229] {strides = array<i32>} : memref<16384xf32, #tpu.memory_space<vmem>>, vector<16xf32>,
        tpu.vector_store %arg8[%swap3A_229], %gather3A_224 {strides = array<i32>} : memref<16384xf32, #tpu.memory_space<vmem>>, vector<16xf32>,
        %scan3A_231 = arith.constant 0 : i32
        %scan3A_232 = arith.constant 4 : i32
        %scan3A_233 = arith.addi %scan3A_179, %scan3A_232 : i32
        %mul3A_234 = arith.constant 16 : i32
        %mul3A_235 = arith.muli %scan3A_233, %mul3A_234 : i32
        %get3A_236 = arith.index_cast %mul3A_235 : i32 to index
        %get3A_237 = tpu.vector_load %arg7[%get3A_236] {strides = array<i32>} : memref<2048xi32, #tpu.memory_space<vmem>>, vector<16xi32>,
        %gather3A_238 = tpu.vector_load_idx %arg5[%get3A_237] : memref<100000xf32, #tpu.memory_space<vmem>>[vector<16xi32>], vector<16xf32>,
        %mul3A_239 = arith.constant 16 : i32
        %mul3A_240 = arith.muli %scan3A_233, %mul3A_239 : i32
        %add3A_241 = arith.constant 14336 : i32
        %add3A_242 = arith.addi %add3A_241, %mul3A_240 : i32
        %swap3A_243 = arith.index_cast %add3A_242 : i32 to index
        %swap3A_244 = tpu.vector_load %arg8[%swap3A_243] {strides = array<i32>} : memref<16384xf32, #tpu.memory_space<vmem>>, vector<16xf32>,
        tpu.vector_store %arg8[%swap3A_243], %gather3A_238 {strides = array<i32>} : memref<16384xf32, #tpu.memory_space<vmem>>, vector<16xf32>,
        %scan3A_245 = arith.constant 0 : i32
        %scan3A_246 = arith.constant 5 : i32
        %scan3A_247 = arith.addi %scan3A_179, %scan3A_246 : i32
        %mul3A_248 = arith.constant 16 : i32
        %mul3A_249 = arith.muli %scan3A_247, %mul3A_248 : i32
        %get3A_250 = arith.index_cast %mul3A_249 : i32 to index
        %get3A_251 = tpu.vector_load %arg7[%get3A_250] {strides = array<i32>} : memref<2048xi32, #tpu.memory_space<vmem>>, vector<16xi32>,
        %gather3A_252 = tpu.vector_load_idx %arg5[%get3A_251] : memref<100000xf32, #tpu.memory_space<vmem>>[vector<16xi32>], vector<16xf32>,
        %mul3A_253 = arith.constant 16 : i32
        %mul3A_254 = arith.muli %scan3A_247, %mul3A_253 : i32
        %add3A_255 = arith.constant 14336 : i32
        %add3A_256 = arith.addi %add3A_255, %mul3A_254 : i32
        %swap3A_257 = arith.index_cast %add3A_256 : i32 to index
        %swap3A_258 = tpu.vector_load %arg8[%swap3A_257] {strides = array<i32>} : memref<16384xf32, #tpu.memory_space<vmem>>, vector<16xf32>,
        tpu.vector_store %arg8[%swap3A_257], %gather3A_252 {strides = array<i32>} : memref<16384xf32, #tpu.memory_space<vmem>>, vector<16xf32>,
        %scan3A_259 = arith.constant 0 : i32
        %scan3A_260 = arith.constant 6 : i32
        %scan3A_261 = arith.addi %scan3A_179, %scan3A_260 : i32
        %mul3A_262 = arith.constant 16 : i32
        %mul3A_263 = arith.muli %scan3A_261, %mul3A_262 : i32
        %get3A_264 = arith.index_cast %mul3A_263 : i32 to index
        %get3A_265 = tpu.vector_load %arg7[%get3A_264] {strides = array<i32>} : memref<2048xi32, #tpu.memory_space<vmem>>, vector<16xi32>,
        %gather3A_266 = tpu.vector_load_idx %arg5[%get3A_265] : memref<100000xf32, #tpu.memory_space<vmem>>[vector<16xi32>], vector<16xf32>,
        %mul3A_267 = arith.constant 16 : i32
        %mul3A_268 = arith.muli %scan3A_261, %mul3A_267 : i32
        %add3A_269 = arith.constant 14336 : i32
        %add3A_270 = arith.addi %add3A_269, %mul3A_268 : i32
        %swap3A_271 = arith.index_cast %add3A_270 : i32 to index
        %swap3A_272 = tpu.vector_load %arg8[%swap3A_271] {strides = array<i32>} : memref<16384xf32, #tpu.memory_space<vmem>>, vector<16xf32>,
        tpu.vector_store %arg8[%swap3A_271], %gather3A_266 {strides = array<i32>} : memref<16384xf32, #tpu.memory_space<vmem>>, vector<16xf32>,
        %scan3A_273 = arith.constant 0 : i32
        %scan3A_274 = arith.constant 7 : i32
        %scan3A_275 = arith.addi %scan3A_179, %scan3A_274 : i32
        %mul3A_276 = arith.constant 16 : i32
        %mul3A_277 = arith.muli %scan3A_275, %mul3A_276 : i32
        %get3A_278 = arith.index_cast %mul3A_277 : i32 to index
        %get3A_279 = tpu.vector_load %arg7[%get3A_278] {strides = array<i32>} : memref<2048xi32, #tpu.memory_space<vmem>>, vector<16xi32>,
        %gather3A_280 = tpu.vector_load_idx %arg5[%get3A_279] : memref<100000xf32, #tpu.memory_space<vmem>>[vector<16xi32>], vector<16xf32>,
        %mul3A_281 = arith.constant 16 : i32
        %mul3A_282 = arith.muli %scan3A_275, %mul3A_281 : i32
        %add3A_283 = arith.constant 14336 : i32
        %add3A_284 = arith.addi %add3A_283, %mul3A_282 : i32
        %swap3A_285 = arith.index_cast %add3A_284 : i32 to index
        %swap3A_286 = tpu.vector_load %arg8[%swap3A_285] {strides = array<i32>} : memref<16384xf32, #tpu.memory_space<vmem>>, vector<16xf32>,
        tpu.vector_store %arg8[%swap3A_285], %gather3A_280 {strides = array<i32>} : memref<16384xf32, #tpu.memory_space<vmem>>, vector<16xf32>,
        %scan3A_287 = arith.constant 0 : i32
        scf.yield %scan3A_287 : i32
      }
      %scan3A_165 = arith.constant 128 : i32
      %dma_start3A_166 = arith.constant 0 : i32
      %dma_start3A_167 = tpu.memref_slice %arg4[%add3A_11, %dma_start3A_166] : memref<416x16384xf32, #tpu.memory_space<hbm>> -> memref<1x16384xf32, #tpu.memory_space<hbm>>
      %dma_start3A_168 = tpu.memref_squeeze %dma_start3A_167 : memref<1x16384xf32, #tpu.memory_space<hbm>> -> memref<16384xf32, #tpu.memory_space<hbm>>
      %dma_start3A_169 = arith.constant 0 : i32
      %dma_start3A_170 = tpu.memref_slice %arg4[%add3A_11, %dma_start3A_169] : memref<416x16384xf32, #tpu.memory_space<hbm>> -> memref<1x16384xf32, #tpu.memory_space<hbm>>
      %dma_start3A_171 = tpu.memref_squeeze %dma_start3A_170 : memref<1x16384xf32, #tpu.memory_space<hbm>> -> memref<16384xf32, #tpu.memory_space<hbm>>
      tpu.enqueue_dma source(%arg8 : memref<16384xf32, #tpu.memory_space<vmem>>) target(%dma_start3A_171 : memref<16384xf32, #tpu.memory_space<hbm>>) target_semaphore(%arg9 : memref<!tpu.dma_semaphore, #tpu.memory_space<semaphore_mem>>)
      %dma_wait3A_172 = arith.constant 0 : i32
      %dma_wait3A_173 = tpu.memref_slice %arg4[%add3A_11, %dma_wait3A_172] : memref<416x16384xf32, #tpu.memory_space<hbm>> -> memref<1x16384xf32, #tpu.memory_space<hbm>>
      %dma_wait3A_174 = tpu.memref_squeeze %dma_wait3A_173 : memref<1x16384xf32, #tpu.memory_space<hbm>> -> memref<16384xf32, #tpu.memory_space<hbm>>
      %dma_wait3A_175 = arith.constant 0 : i32
      %dma_wait3A_176 = tpu.memref_slice %arg4[%add3A_11, %dma_wait3A_175] : memref<416x16384xf32, #tpu.memory_space<hbm>> -> memref<1x16384xf32, #tpu.memory_space<hbm>>
      %dma_wait3A_177 = tpu.memref_squeeze %dma_wait3A_176 : memref<1x16384xf32, #tpu.memory_space<hbm>> -> memref<16384xf32, #tpu.memory_space<hbm>>
      tpu.wait_dma2 semaphore(%arg9 : memref<!tpu.dma_semaphore, #tpu.memory_space<semaphore_mem>>) src(%arg8 : memref<16384xf32, #tpu.memory_space<vmem>>) dst(%dma_wait3A_177 : memref<16384xf32, #tpu.memory_space<hbm>>)
      %scan3A_178 = arith.constant 0 : i32
      scf.yield %scan3A_178 : i32
    }
    %scan3A_6 = arith.constant 13 : i32
    return
  }
}

module attributes {stable_mosaic.version = 14 : i64} {
  func.func @_wide_body(%arg0: i32, %arg1: memref<2048x1000xf32, #tpu.memory_space<vmem>>, %arg2: memref<1000x1xf32, #tpu.memory_space<vmem>>, %arg3: memref<2048x1xf32, #tpu.memory_space<vmem>>) attributes {dimension_semantics = [#tpu.dimension_semantics<arbitrary>], iteration_bounds = array<i64: 8>, scalar_prefetch = 0 : i64, scratch_operands = 0 : i64, tpu.core_type = #tpu.core_type<tc>, window_params = [{transform_indices = @transform_0, window_bounds = array<i64: 2048, 1000>}, {pipeline_mode = #tpu.pipeline_mode<synchronous>, transform_indices = @transform_1, window_bounds = array<i64: 1000, 1>}, {transform_indices = @transform_2, window_bounds = array<i64: 2048, 1>}]} {
    %get3A = arith.constant 0 : index
    %get3A_0 = arith.constant 0 : index
    %get3A_1 = vector.load %arg1[%get3A, %get3A_0] : memref<2048x1000xf32, #tpu.memory_space<vmem>>, vector<2048x1000xf32>
    %get3A_2 = arith.constant 0 : index
    %get3A_3 = arith.constant 0 : index
    %get3A_4 = vector.load %arg2[%get3A_2, %get3A_3] : memref<1000x1xf32, #tpu.memory_space<vmem>>, vector<1000x1xf32>
    %dot_general3A = arith.constant dense<0.000000e+00> : vector<2048x1xf32>
    %dot_general3A_5 = tpu.matmul %get3A_1, %get3A_4, %dot_general3A {dimension_numbers = #tpu.dot_dimension_numbers<[1], [0], [0], [1], [0, 0, 1, 1], [], []>, transpose_lhs_hint = false} : vector<2048x1000xf32>, vector<1000x1xf32>, vector<2048x1xf32> -> vector<2048x1xf32>
    %swap3A = arith.constant 0 : index
    %swap3A_6 = arith.constant 0 : index
    %swap3A_7 = vector.load %arg3[%swap3A, %swap3A_6] : memref<2048x1xf32, #tpu.memory_space<vmem>>, vector<2048x1xf32>
    tpu.vector_store %arg3[%swap3A, %swap3A_6], %dot_general3A_5 {strides = array<i32>} : memref<2048x1xf32, #tpu.memory_space<vmem>>, vector<2048x1xf32>,
    return
  }
  func.func @transform_0(%arg0: i32) -> (i32, i32) {
    %c0_i32 = arith.constant 0 : i32
    %c0_i32_0 = arith.constant 0 : i32
    return %arg0, %c0_i32 : i32, i32
  }
  func.func @transform_1(%arg0: i32) -> (i32, i32) {
    %c0_i32 = arith.constant 0 : i32
    %c0_i32_0 = arith.constant 0 : i32
    %c0_i32_1 = arith.constant 0 : i32
    return %c0_i32, %c0_i32_0 : i32, i32
  }
  func.func @transform_2(%arg0: i32) -> (i32, i32) {
    %c0_i32 = arith.constant 0 : i32
    %c0_i32_0 = arith.constant 0 : i32
    return %arg0, %c0_i32 : i32, i32
  }
}

module attributes {stable_mosaic.version = 14 : i64} {
  func.func @_mlp_body(%arg0: i32, %arg1: memref<416x2048xf32, #tpu.memory_space<vmem>>, %arg2: memref<2048x13xf32, #tpu.memory_space<vmem>>, %arg3: memref<2048x1xf32, #tpu.memory_space<vmem>>, %arg4: memref<416x256xf32, #tpu.memory_space<vmem>>, %arg5: memref<13x256xf32, #tpu.memory_space<vmem>>, %arg6: memref<1x256xf32, #tpu.memory_space<vmem>>, %arg7: memref<256x128xf32, #tpu.memory_space<vmem>>, %arg8: memref<1x128xf32, #tpu.memory_space<vmem>>, %arg9: memref<128x64xf32, #tpu.memory_space<vmem>>, %arg10: memref<1x64xf32, #tpu.memory_space<vmem>>, %arg11: memref<64x1xf32, #tpu.memory_space<vmem>>, %arg12: memref<1x1xf32, #tpu.memory_space<vmem>>, %arg13: memref<2048x1xf32, #tpu.memory_space<vmem>>) attributes {dimension_semantics = [#tpu.dimension_semantics<arbitrary>], iteration_bounds = array<i64: 8>, scalar_prefetch = 0 : i64, scratch_operands = 0 : i64, tpu.core_type = #tpu.core_type<tc>, window_params = [{transform_indices = @transform_0, window_bounds = array<i64: 416, 2048>}, {transform_indices = @transform_1, window_bounds = array<i64: 2048, 13>}, {transform_indices = @transform_2, window_bounds = array<i64: 2048, 1>}, {pipeline_mode = #tpu.pipeline_mode<synchronous>, transform_indices = @transform_3, window_bounds = array<i64: 416, 256>}, {pipeline_mode = #tpu.pipeline_mode<synchronous>, transform_indices = @transform_4, window_bounds = array<i64: 13, 256>}, {pipeline_mode = #tpu.pipeline_mode<synchronous>, transform_indices = @transform_5, window_bounds = array<i64: 1, 256>}, {pipeline_mode = #tpu.pipeline_mode<synchronous>, transform_indices = @transform_6, window_bounds = array<i64: 256, 128>}, {pipeline_mode = #tpu.pipeline_mode<synchronous>, transform_indices = @transform_7, window_bounds = array<i64: 1, 128>}, {pipeline_mode = #tpu.pipeline_mode<synchronous>, transform_indices = @transform_8, window_bounds = array<i64: 128, 64>}, {pipeline_mode = #tpu.pipeline_mode<synchronous>, transform_indices = @transform_9, window_bounds = array<i64: 1, 64>}, {pipeline_mode = #tpu.pipeline_mode<synchronous>, transform_indices = @transform_10, window_bounds = array<i64: 64, 1>}, {pipeline_mode = #tpu.pipeline_mode<synchronous>, transform_indices = @transform_11, window_bounds = array<i64: 1, 1>}, {transform_indices = @transform_12, window_bounds = array<i64: 2048, 1>}]} {
    %get3A = arith.constant 0 : index
    %get3A_0 = arith.constant 0 : index
    %get3A_1 = vector.load %arg1[%get3A, %get3A_0] : memref<416x2048xf32, #tpu.memory_space<vmem>>, vector<416x2048xf32>
    %get3A_2 = arith.constant 0 : index
    %get3A_3 = arith.constant 0 : index
    %get3A_4 = vector.load %arg4[%get3A_2, %get3A_3] : memref<416x256xf32, #tpu.memory_space<vmem>>, vector<416x256xf32>
    %dot_general3A = arith.constant dense<0.000000e+00> : vector<2048x256xf32>
    %dot_general3A_5 = tpu.matmul %get3A_1, %get3A_4, %dot_general3A {dimension_numbers = #tpu.dot_dimension_numbers<[0], [0], [1], [1], [0, 1, 1, 1], [], []>, transpose_lhs_hint = false} : vector<416x2048xf32>, vector<416x256xf32>, vector<2048x256xf32> -> vector<2048x256xf32>
    %get3A_6 = arith.constant 0 : index
    %get3A_7 = arith.constant 0 : index
    %get3A_8 = vector.load %arg2[%get3A_6, %get3A_7] : memref<2048x13xf32, #tpu.memory_space<vmem>>, vector<2048x13xf32>
    %get3A_9 = arith.constant 0 : index
    %get3A_10 = arith.constant 0 : index
    %get3A_11 = vector.load %arg5[%get3A_9, %get3A_10] : memref<13x256xf32, #tpu.memory_space<vmem>>, vector<13x256xf32>
    %dot_general3A_12 = arith.constant dense<0.000000e+00> : vector<2048x256xf32>
    %dot_general3A_13 = tpu.matmul %get3A_8, %get3A_11, %dot_general3A_12 {dimension_numbers = #tpu.dot_dimension_numbers<[1], [0], [0], [1], [0, 0, 1, 1], [], []>, transpose_lhs_hint = false} : vector<2048x13xf32>, vector<13x256xf32>, vector<2048x256xf32> -> vector<2048x256xf32>
    %add3A = arith.addf %dot_general3A_5, %dot_general3A_13 : vector<2048x256xf32>
    %get3A_14 = arith.constant 0 : index
    %get3A_15 = arith.constant 0 : index
    %get3A_16 = vector.load %arg6[%get3A_14, %get3A_15] : memref<1x256xf32, #tpu.memory_space<vmem>>, vector<1x256xf32>
    %add3A_17 = vector.broadcast %get3A_16 : vector<1x256xf32> to vector<2048x256xf32>
    %add3A_18 = arith.addf %add3A, %add3A_17 : vector<2048x256xf32>
    %max3A = arith.constant 0.000000e+00 : f32
    %max3A_19 = vector.broadcast %max3A : f32 to vector<2048x256xf32>
    %max3A_20 = arith.maximumf %add3A_18, %max3A_19 : vector<2048x256xf32>
    %get3A_21 = arith.constant 0 : index
    %get3A_22 = arith.constant 0 : index
    %get3A_23 = vector.load %arg7[%get3A_21, %get3A_22] : memref<256x128xf32, #tpu.memory_space<vmem>>, vector<256x128xf32>
    %dot_general3A_24 = arith.constant dense<0.000000e+00> : vector<2048x128xf32>
    %dot_general3A_25 = tpu.matmul %max3A_20, %get3A_23, %dot_general3A_24 {dimension_numbers = #tpu.dot_dimension_numbers<[1], [0], [0], [1], [0, 0, 1, 1], [], []>, transpose_lhs_hint = false} : vector<2048x256xf32>, vector<256x128xf32>, vector<2048x128xf32> -> vector<2048x128xf32>
    %get3A_26 = arith.constant 0 : index
    %get3A_27 = arith.constant 0 : index
    %get3A_28 = vector.load %arg8[%get3A_26, %get3A_27] : memref<1x128xf32, #tpu.memory_space<vmem>>, vector<1x128xf32>
    %add3A_29 = vector.broadcast %get3A_28 : vector<1x128xf32> to vector<2048x128xf32>
    %add3A_30 = arith.addf %dot_general3A_25, %add3A_29 : vector<2048x128xf32>
    %max3A_31 = arith.constant 0.000000e+00 : f32
    %max3A_32 = vector.broadcast %max3A_31 : f32 to vector<2048x128xf32>
    %max3A_33 = arith.maximumf %add3A_30, %max3A_32 : vector<2048x128xf32>
    %get3A_34 = arith.constant 0 : index
    %get3A_35 = arith.constant 0 : index
    %get3A_36 = vector.load %arg9[%get3A_34, %get3A_35] : memref<128x64xf32, #tpu.memory_space<vmem>>, vector<128x64xf32>
    %dot_general3A_37 = arith.constant dense<0.000000e+00> : vector<2048x64xf32>
    %dot_general3A_38 = tpu.matmul %max3A_33, %get3A_36, %dot_general3A_37 {dimension_numbers = #tpu.dot_dimension_numbers<[1], [0], [0], [1], [0, 0, 1, 1], [], []>, transpose_lhs_hint = false} : vector<2048x128xf32>, vector<128x64xf32>, vector<2048x64xf32> -> vector<2048x64xf32>
    %get3A_39 = arith.constant 0 : index
    %get3A_40 = arith.constant 0 : index
    %get3A_41 = vector.load %arg10[%get3A_39, %get3A_40] : memref<1x64xf32, #tpu.memory_space<vmem>>, vector<1x64xf32>
    %add3A_42 = vector.broadcast %get3A_41 : vector<1x64xf32> to vector<2048x64xf32>
    %add3A_43 = arith.addf %dot_general3A_38, %add3A_42 : vector<2048x64xf32>
    %max3A_44 = arith.constant 0.000000e+00 : f32
    %max3A_45 = vector.broadcast %max3A_44 : f32 to vector<2048x64xf32>
    %max3A_46 = arith.maximumf %add3A_43, %max3A_45 : vector<2048x64xf32>
    %get3A_47 = arith.constant 0 : index
    %get3A_48 = arith.constant 0 : index
    %get3A_49 = vector.load %arg11[%get3A_47, %get3A_48] : memref<64x1xf32, #tpu.memory_space<vmem>>, vector<64x1xf32>
    %dot_general3A_50 = arith.constant dense<0.000000e+00> : vector<2048x1xf32>
    %dot_general3A_51 = tpu.matmul %max3A_46, %get3A_49, %dot_general3A_50 {dimension_numbers = #tpu.dot_dimension_numbers<[1], [0], [0], [1], [0, 0, 1, 1], [], []>, transpose_lhs_hint = false} : vector<2048x64xf32>, vector<64x1xf32>, vector<2048x1xf32> -> vector<2048x1xf32>
    %get3A_52 = arith.constant 0 : index
    %get3A_53 = arith.constant 0 : index
    %get3A_54 = vector.load %arg3[%get3A_52, %get3A_53] : memref<2048x1xf32, #tpu.memory_space<vmem>>, vector<2048x1xf32>
    %add3A_55 = arith.addf %dot_general3A_51, %get3A_54 : vector<2048x1xf32>
    %get3A_56 = arith.constant 0 : index
    %get3A_57 = arith.constant 0 : index
    %get3A_58 = vector.load %arg12[%get3A_56, %get3A_57] : memref<1x1xf32, #tpu.memory_space<vmem>>, vector<1x1xf32>
    %add3A_59 = vector.broadcast %get3A_58 : vector<1x1xf32> to vector<2048x1xf32>
    %add3A_60 = arith.addf %add3A_55, %add3A_59 : vector<2048x1xf32>
    %logistic3A = arith.negf %add3A_60 : vector<2048x1xf32>
    %logistic3A_61 = math.exp %logistic3A : vector<2048x1xf32>
    %logistic3A_62 = arith.constant 1.000000e+00 : f32
    %logistic3A_63 = vector.broadcast %logistic3A_62 : f32 to vector<2048x1xf32>
    %logistic3A_64 = arith.addf %logistic3A_63, %logistic3A_61 : vector<2048x1xf32>
    %logistic3A_65 = arith.divf %logistic3A_63, %logistic3A_64 : vector<2048x1xf32>
    %swap3A = arith.constant 0 : index
    %swap3A_66 = arith.constant 0 : index
    %swap3A_67 = vector.load %arg13[%swap3A, %swap3A_66] : memref<2048x1xf32, #tpu.memory_space<vmem>>, vector<2048x1xf32>
    tpu.vector_store %arg13[%swap3A, %swap3A_66], %logistic3A_65 {strides = array<i32>} : memref<2048x1xf32, #tpu.memory_space<vmem>>, vector<2048x1xf32>,
    return
  }
  func.func @transform_0(%arg0: i32) -> (i32, i32) {
    %c0_i32 = arith.constant 0 : i32
    %c0_i32_0 = arith.constant 0 : i32
    return %c0_i32, %arg0 : i32, i32
  }
  func.func @transform_1(%arg0: i32) -> (i32, i32) {
    %c0_i32 = arith.constant 0 : i32
    %c0_i32_0 = arith.constant 0 : i32
    return %arg0, %c0_i32 : i32, i32
  }
  func.func @transform_2(%arg0: i32) -> (i32, i32) {
    %c0_i32 = arith.constant 0 : i32
    %c0_i32_0 = arith.constant 0 : i32
    return %arg0, %c0_i32 : i32, i32
  }
  func.func @transform_3(%arg0: i32) -> (i32, i32) {
    %c0_i32 = arith.constant 0 : i32
    %c0_i32_0 = arith.constant 0 : i32
    %c0_i32_1 = arith.constant 0 : i32
    return %c0_i32, %c0_i32_0 : i32, i32
  }
  func.func @transform_4(%arg0: i32) -> (i32, i32) {
    %c0_i32 = arith.constant 0 : i32
    %c0_i32_0 = arith.constant 0 : i32
    %c0_i32_1 = arith.constant 0 : i32
    return %c0_i32, %c0_i32_0 : i32, i32
  }
  func.func @transform_5(%arg0: i32) -> (i32, i32) {
    %c0_i32 = arith.constant 0 : i32
    %c0_i32_0 = arith.constant 0 : i32
    %c0_i32_1 = arith.constant 0 : i32
    return %c0_i32, %c0_i32_0 : i32, i32
  }
  func.func @transform_6(%arg0: i32) -> (i32, i32) {
    %c0_i32 = arith.constant 0 : i32
    %c0_i32_0 = arith.constant 0 : i32
    %c0_i32_1 = arith.constant 0 : i32
    return %c0_i32, %c0_i32_0 : i32, i32
  }
  func.func @transform_7(%arg0: i32) -> (i32, i32) {
    %c0_i32 = arith.constant 0 : i32
    %c0_i32_0 = arith.constant 0 : i32
    %c0_i32_1 = arith.constant 0 : i32
    return %c0_i32, %c0_i32_0 : i32, i32
  }
  func.func @transform_8(%arg0: i32) -> (i32, i32) {
    %c0_i32 = arith.constant 0 : i32
    %c0_i32_0 = arith.constant 0 : i32
    %c0_i32_1 = arith.constant 0 : i32
    return %c0_i32, %c0_i32_0 : i32, i32
  }
  func.func @transform_9(%arg0: i32) -> (i32, i32) {
    %c0_i32 = arith.constant 0 : i32
    %c0_i32_0 = arith.constant 0 : i32
    %c0_i32_1 = arith.constant 0 : i32
    return %c0_i32, %c0_i32_0 : i32, i32
  }
  func.func @transform_10(%arg0: i32) -> (i32, i32) {
    %c0_i32 = arith.constant 0 : i32
    %c0_i32_0 = arith.constant 0 : i32
    %c0_i32_1 = arith.constant 0 : i32
    return %c0_i32, %c0_i32_0 : i32, i32
  }
  func.func @transform_11(%arg0: i32) -> (i32, i32) {
    %c0_i32 = arith.constant 0 : i32
    %c0_i32_0 = arith.constant 0 : i32
    %c0_i32_1 = arith.constant 0 : i32
    return %c0_i32, %c0_i32_0 : i32, i32
  }
  func.func @transform_12(%arg0: i32) -> (i32, i32) {
    %c0_i32 = arith.constant 0 : i32
    %c0_i32_0 = arith.constant 0 : i32
    return %arg0, %c0_i32 : i32, i32
  }
}

</mosaic_0001>

<sc_bundles>
// kernel: kernel.5.cloned.1.call-start
scs
__scs_entry_jumppad:
0x0: {  	(pc) =	sbr.rel $0x88, $3  }
0x1: {  	(tag) =	ssettag $0x0;
	lr =	simm.s32 $0x1  }
0x2: {  	[smem:$0x3F96] =	sst lr;
	_ =	strace $0xD0000000  }
0x3: {  	_ = 	snop  }
0x4: {  	_ = 	snop  }
0x5: {  	_ = 	snop  }
0x6: {  	_ = 	snop  }
0x7: {  	_ = 	snop  }
__scs_overlays_trampoline_lowered:
0x8: {  	[smem:$0x3FA5] =	sst s0  }
0x9: {  	[smem:$0x3FA6] =	sst s1  }
0xa: {  	[smem:$0x3FA7] =	sst s2  }
0xb: {  	[smem:$0x3FA8] =	sst s3  }
0xc: {  	[smem:$0x3FA9] =	sst s4  }
0xd: {  	[smem:$0x3FAA] =	sst s5  }
0xe: {  	[smem:$0x3FAB] =	sst s6  }
0xf: {  	[smem:$0x3FAC] =	sst s7  }
0x10: {  	[smem:$0x3FAD] =	sst s8  }
0x11: {  	[smem:$0x3FAE] =	sst s9;
	s0 =	simm.s32 @!p0 $0x0  }
0x12: {  	s1 =	sld [smem:$0x3F94];
	s0 =	simm.s32 @p0 $0x1  }
0x13: {  	[smem:$0x3FAF] =	sst s0;
	s0 =	simm.s32 @!p1 $0x0  }
0x14: {  	s2 =	sld [smem:$0x3F93];
	s0 =	simm.s32 @p1 $0x1  }
0x15: {  	[smem:$0x3FB0] =	sst s0;
	s0 =	simm.s32 @!p2 $0x0  }
0x16: {  	s3 =	sld [smem:$0x3FDB];
	s0 =	simm.s32 @p2 $0x1  }
0x17: {  	s4 =	simm.s32 $0x1BF5;
	[smem:$0x3FB2] =	sst s0  }
0x18: {  	s0 =	sld [smem:$0x3F95];
	_ =	swait.ge [sflag:s4], $0x0  }
0x19: {  	s7 =	sld [smem:$0x3F96]  }
0x1a: {  	s8 =	sadd.s32 $0xFFFFE003, lr  }
0x1b: {  	s9 =	sadd.s32 $0xFFFFFEF7, lr;
	s5 =	simm.s32 $0xFFFFFFFF;
	p2 =	slt.u32 s8, $0xFFFFF086  }
0x1c: {  	p1 =	slt.u32 s9, $0xF7A;
	s5 =	simm.s32 @!p2 $0x0  }
0x1d: {  	s5 =	simm.s32 @p1 $0x1;
	p0 =	seq.s32 s7, s2  }
0x1e: {  	s7 =	smul.u32 @!p0 $0xF7A, s2;
	p2 =	seq.s32 @!p0 s5, $0x0  }
0x1f: {  	s9 =	smul.u32 $0xF7A, s1;
	s8 =	simm.s32 @!p0 $0x1BF5;
	p2 =	por !p2, p0  }
0x20: {  	[sflag:s8] =	ssyncset.s32 @!p0 $0xFFFFF086;
	s6 =	sadd.s32 @!p0 s3, s7;
	s7 =	simm.s32 @!p0 $0x108  }
0x21: {  	s3 =	sadd.s32 s3, s9;
	s6 =	sadd.s32 @!p0 $0x88, s6;
	s7 =	simm.s32 @p2 $0x1082  }
0x22: {  	[simem:s7], [sflag:s8] =	dma.local @!p0 [hbm:s6], $0xF7A  }
0x23: {  	s9 =	sor.u32 $0xD0000000, s2;
	s6 =	simm.s32 $0x108;
	_ =	swait.ge @!p0 [sflag:s8], $0x0  }
0x24: {  	s3 =	sadd.s32 $0x88, s3;
	s6 =	simm.s32 @!p1 $0x1082;
	[sflag:s4] =	ssyncset.s32 $0xFFFFF086  }
0x25: {  	[simem:s6], [sflag:s4] =	dma.local [hbm:s3], $0xF7A  }
0x26: {  	[smem:$0x3F96] =	sst s1;
	(tag) =	ssettag s2;
	_ =	strace s9  }
0x27: {  	s1 =	sld [smem:$0x3FA6]  }
0x28: {  	s2 =	sld [smem:$0x3FA7]  }
0x29: {  	s4 =	sld [smem:$0x3FA9]  }
0x2a: {  	p0 =	seq.s32 s5, $0x0;
	s5 =	sld [smem:$0x3FAA]  }
0x2b: {  	s6 =	sld [smem:$0x3FAB]  }
0x2c: {  	s7 =	sld [smem:$0x3FAC]  }
0x2d: {  	s3 =	simm.s32 $0x108;
	s8 =	sld [smem:$0x3FAD]  }
0x2e: {  	s3 =	simm.s32 @!p0 $0x1082;
	s9 =	sld [smem:$0x3FAE]  }
0x2f: {  	lr =	sadd.s32 s0, s3;
	s0 =	sld [smem:$0x3FA5]  }
0x30: {  	s3 =	sld [smem:$0x3FA8]  }
0x31: {  	[smem:$0x3FB1] =	sst s10  }
0x32: {  	s10 =	sld [smem:$0x3FAF];
	_ =	sdelay $0x3  }
0x33: {  	p0 =	seq.s32 s10, $0x1;
	s10 =	sld [smem:$0x3FB1];
	_ =	sdelay $0x3  }
0x34: {  	[smem:$0x3FB1] =	sst s10  }
0x35: {  	s10 =	sld [smem:$0x3FB0];
	_ =	sdelay $0x3  }
0x36: {  	p1 =	seq.s32 s10, $0x1;
	s10 =	sld [smem:$0x3FB1];
	_ =	sdelay $0x3  }
0x37: {  	[smem:$0x3FB1] =	sst s10  }
0x38: {  	s10 =	sld [smem:$0x3FB2]  }
0x39: {  	_ = 	snop;
	(pc) =	sbr.ind lr, $3  }
0x3a: {  	_ = 	snop  }
0x3b: {  	_ = 	snop  }
0x3c: {  	p2 =	seq.s32 s10, $0x1;
	s10 =	sld [smem:$0x3FB1]  }
0x3d: {  	_ =	shalt  }
0x3e: {  	_ =	shalt  }
0x3f: {  	_ =	shalt  }
0x40: {  	_ =	shalt  }
0x41: {  	_ =	shalt  }
0x42: {  	_ =	shalt  }
0x43: {  	_ =	shalt  }
0x44: {  	_ =	shalt  }
0x45: {  	_ =	shalt  }
0x46: {  	_ =	shalt  }
0x47: {  	_ =	shalt  }
0x48: {  	_ =	shalt  }
0x49: {  	_ =	shalt  }
0x4a: {  	_ =	shalt  }
0x4b: {  	_ =	shalt  }
0x4c: {  	_ =	shalt  }
0x4d: {  	_ =	shalt  }
0x4e: {  	_ =	shalt  }
0x4f: {  	_ =	shalt  }
0x50: {  	_ =	shalt  }
0x51: {  	_ =	shalt  }
0x52: {  	_ =	shalt  }
0x53: {  	_ =	shalt  }
0x54: {  	_ =	shalt  }
0x55: {  	_ =	shalt  }
0x56: {  	_ =	shalt  }
0x57: {  	_ =	shalt  }
0x58: {  	_ =	shalt  }
0x59: {  	_ =	shalt  }
0x5a: {  	_ =	shalt  }
0x5b: {  	_ =	shalt  }
0x5c: {  	_ =	shalt  }
0x5d: {  	_ =	shalt  }
0x5e: {  	_ =	shalt  }
0x5f: {  	_ =	shalt  }
0x60: {  	_ =	shalt  }
0x61: {  	_ =	shalt  }
0x62: {  	_ =	shalt  }
0x63: {  	_ =	shalt  }
0x64: {  	_ =	shalt  }
0x65: {  	_ =	shalt  }
0x66: {  	_ =	shalt  }
0x67: {  	_ =	shalt  }
0x68: {  	_ =	shalt  }
0x69: {  	_ =	shalt  }
0x6a: {  	_ =	shalt  }
0x6b: {  	_ =	shalt  }
0x6c: {  	_ =	shalt  }
0x6d: {  	_ =	shalt  }
0x6e: {  	_ =	shalt  }
0x6f: {  	_ =	shalt  }
0x70: {  	_ =	shalt  }
0x71: {  	_ =	shalt  }
0x72: {  	_ =	shalt  }
0x73: {  	_ =	shalt  }
0x74: {  	_ =	shalt  }
0x75: {  	_ =	shalt  }
0x76: {  	_ =	shalt  }
0x77: {  	_ =	shalt  }
0x78: {  	_ =	shalt  }
0x79: {  	_ =	shalt  }
0x7a: {  	_ =	shalt  }
0x7b: {  	_ =	shalt  }
0x7c: {  	_ =	shalt  }
0x7d: {  	_ =	shalt  }
0x7e: {  	_ =	shalt  }
0x7f: {  	_ =	shalt  }
0x80: {  	_ =	shalt  }
0x81: {  	_ =	shalt  }
0x82: {  	_ =	shalt  }
0x83: {  	_ =	shalt  }
0x84: {  	_ =	shalt  }
0x85: {  	_ =	shalt  }
0x86: {  	_ =	shalt  }
0x87: {  	_ =	shalt  }
.Lfunc_end0:
.L_simem_size_0:
called_computation_lowered:
.L_overlay_start_0:
0x88: {  	s2 =	sld [smem:$0x3FD9]  }
0x89: {  	s3 =	sld [smem:$0x3FFE];
	_ =	sdelay $0x1  }
0x8a: {  	s1 =	srdreg.scid  }
0x8b: {  	s0 =	sand.u32 $0x1, s1  }
0x8c: {  	s17 =	sshll.u32 s0, $0xA;
	s2 =	sadd.s32 s3, s2  }
0x8d: {  	s2 =	sadd.s32 s2, s17  }
0x8e: {  	[smem:$0x3FBD] =	sst s2  }
0x8f: {  	_ = 	snop  }
0x90: {  	s2 =	sld [smem:$0x3FC7];
	(tm) =	ssettm $0x1  }
0x91: {  	s18 =	sld [smem:$0x3FFB];
	_ =	sdelay $0x3  }
0x92: {  	_ =	strace s18  }
0x93: {  	s3 =	sld [smem:$0x3FFC];
	_ =	sdelay $0x3  }
0x94: {  	_ =	strace s3  }
0x95: {  	s3 =	sld [smem:$0x3FFD];
	_ =	sdelay $0x3  }
0x96: {  	_ =	strace s3  }
0x97: {  	_ =	strace $0x8FFFFFFF  }
0x98: {  	s19 =	sld [smem:$0x3FDB];
	_ =	sdelay $0x1  }
0x99: {  	s4 =	simm.s32 $_scs_section_size  }
0x9a: {  	s5 =	simm.s32 $_size__tile_overlayer_lowered;
	s6 =	simm.s32 $_tile_overlayer_lowered  }
0x9b: {  	s22 =	simm.s32 $0x1BFF;
	s21 =	sshll.u32 s6, $0x1;
	s3 =	sadd.s32 s4, s19  }
0x9c: {  	s7 =	simm.s32 $0x0;
	s20 =	sshll.u32 s5, $0x1;
	s5 =	sadd.s32 s21, s3  }
0x9d: {  	[timem:s7], [sflag:s22] =	dma.local [hbm:s5], s20  }
0x9e: {  	_ =	swait.ge [sflag:s22], s20  }
0x9f: {  	s4 =	ssub.s32 $0x0, s20;
	[sflag:s22] =	ssyncset.done $0x0  }
0xa0: {  	[sflag:s22] =	ssyncadd.s32 s4;
	_ =	sdelay $0x1  }
0xa1: {  	s23 =	simm.s32 $0x1B8B  }
0xa2: {  	_ =	swait.ge [sflag:s23], $0x1  }
0xa3: {  	[sflag:s23] =	ssyncset.done $0x0  }
0xa4: {  	s25 =	simm.s32 $0x1B8E;
	s24 =	sld [smem:$0x3FFE];
	[sflag:s23] =	ssyncadd.s32 $0xFFFFFFFF  }
0xa5: {  	s26 =	simm.s32 $execute0_lowered;
	[smem:$0x3FD2] =	sst s25  }
0xa6: {  	s5 =	sshll.u32 s26, $0x1;
	_ =	strace $0x80000046;
	[dreg:$0x1] =	wrdreg $0xFFFFFFFF  }
0xa7: {  	s28 =	simm.s32 $_size_execute0_lowered;
	s3 =	sadd.s32 s3, s5;
	[dreg:$0x0] =	wrdreg $0x0  }
0xa8: {  	s5 =	sshll.u32 s28, $0x1;
	[dreg:$0x2] =	wrdreg s3  }
0xa9: {  	[dreg:$0x3] =	wrdreg s5  }
0xaa: {  	[dreg:$0x4] =	wrdreg $0xC0  }
0xab: {  	_ =	task [dreg:s7], $0x5FFFF  }
0xac: {  	[dreg:$0x1] =	wrdreg $0xFFFFFFFF  }
0xad: {  	[dreg:$0x0] =	wrdreg $0x60  }
0xae: {  	[dreg:$0x2] =	wrdreg s2  }
0xaf: {  	[dreg:$0x3] =	wrdreg s24  }
0xb0: {  	[dreg:$0x4] =	wrdreg $0x9  }
0xb1: {  	_ =	task.clear_ibuf [dreg:s7], $0x5FFFF;
	_ =	strace $0x90000046  }
0xb2: {  	s29 =	simm.s32 $0x9;
	_ =	strace $0x80000048  }
0xb3: {  	_ =	swait.ge [sflag:s29], $0x1  }
0xb4: {  	[sflag:s29] =	ssyncadd.s32 $0xFFFFFFFF  }
0xb5: {  	_ =	strace $0x90000048  }
0xb6: {  	_ =	sfence  }
0xb7: {  	s30 =	sld [smem:$0x0];
	_ =	sdelay $0x2  }
0xb8: {  	s31 =	sshll.u32 s1, $0xD;
	s1 =	sshrl.u32 s1, $0x2  }
0xb9: {  	s3 =	sand.u32 $0x4000, s31;
	s1 =	sadd.s32 s1, s30  }
0xba: {  	s0 =	sor.u32 s3, s0;
	s1 =	sshll.u32 s1, $0x11  }
0xbb: {  	s0 =	sor.u32 s1, s0  }
0xbc: {  	s0 =	sadd.s32 $0x8F2B, s0  }
0xbd: {  	[sflag:s0] =	ssyncadd.remote.s32 $0x1  }
0xbe: {  	_ =	sfence.sel $0xFFFF  }
0xbf: {  	[dreg:$0x0] =	wrdreg $0xFFFFFFFF;
	(pc) =	sbr.abs _section_cstart, $3  }
0xc0: {  	[dreg:$0x1] =	wrdreg $0xFFFFFFFF  }
0xc1: {  	_ =	task.clear_ibuf [dreg:s7], $0x2FFFF;
	_ =	strace $0x9FFFFFFF  }
0xc2: {  	(tm) =	ssettm $0x7FFFFFFF  }
0xc3: {  	_ =	shalt  }
tec
execute0_lowered:
.L_overlay_start_1:
0x0: {  	(tag) =	ssettag $0x1  }
0x1: {  	s1 =	rddreg [dreg:$0x0]  }
0x2: {  	s0 =	rddreg [dreg:$0x1]  }
0x3: {  	s3 =	simm.s32 $0x0;
	s4 =	srdreg.scid;
	s2 =	stileid.u32  }
0x4: {  	s14 =	simm.s32 $0x80;
	s15 =	simm.s32 $0x400;
	s16 =	simm.s32 $0x3  }
0x5: {  	s17 =	simm.s32 $0x18700;
	s18 =	simm.s32 $0x18F00;
	s19 =	simm.s32 $0x2  }
0x6: {  	s20 =	simm.s32 $0x19700;
	s21 =	simm.s32 $0x1;
	s22 =	simm.s32 $0x0  }
0x7: {  	[smem:$0x7FF] =	sst s3;
	s6 =	sand.u32 $0x1, s4;
	s4 =	sadd.s32 $0x1800, s0  }
0x8: {  	s8 =	sshll.u32 s2, $0x1;
	s5 =	sadd.s32 $0x11800, s0;
	s10 =	sadd.s32 $0x3800, s0  }
0x9: {  	s11 =	sadd.s32 $0x4000, s0;
	s12 =	sadd.s32 $0x4800, s0;
	s7 =	ssub.s32 $0x2, s6  }
0xa: {  	_ =	strace $0x80000047;
	s6 =	sor.u32 s6, s8;
	s9 =	sshrl.u32 s7, $0x1  }
0xb: {  	s8 =	sadd.s32 $0x2800, s0;
	s6 =	smul.u32 $0xD, s6;
	s13 =	ssub.s32 s7, s9  }
0xc: {  	s7 =	sadd.s32 $0x2000, s0;
	s9 =	sadd.s32 $0x3000, s0;
	s13 =	smax.u32 s13, $0x1  }
.LBB2_1:
0xd: {  	s23 =	simm.s32 $0x0  }
.LBB2_2:
0xe: {  	s0 =	sadd.s32 s6, s23  }
0xf: {  	s24 =	sshrl.u32 s0, $0x3  }
0x10: {  	s25 =	sshll.u32 s0, $0x7;
	s26 =	smul.u32 $0xC3800, s24  }
0x11: {  	s25 =	sand.u32 $0x380, s25  }
0x12: {  	s26 =	sor.u32 s25, s26  }
0x13: {  	s26 =	sshrl.u32 s26, $0x3  }
0x14: {  	s28 =	sshll.u32 s0, $0xA;
	s0 =	sshll.u32 s0, $0x3;
	s26 =	sadd.s32 s1, s26  }
0x15: {  	[tilespmem:s3], [sflag:$0x3] =	stream.strided.gather [hbm4b:s26+s14], $0x18700, s15, s14, $0x38;
	[tilespmem:$0x1D700] =	vst v63  }
0x16: {  	s29 =	sand.u32 $0x7FFE0000, s28;
	s26 =	sand.u32 $0x380, s0  }
0x17: {  	_ =	swait.ge [sflag:s16], $0x18700;
	s0 =	sor.u32 s26, s29  }
0x18: {  	[sflag:s16] =	ssyncset.done $0x0;
	s29 =	sshrl.u32 s0, $0x3  }
0x19: {  	[sflag:s16] =	ssyncadd.s32 $0xFFFE7900;
	s0 =	sadd.s32 s4, s29  }
0x1a: {  	[tilespmem:s17], [sflag:$0x3] =	stream.strided.gather [hbm4b:s0+s14], $0x800, s15, s14, $0x38;
	[tilespmem:$0x1D700] =	vst v63  }
0x1b: {  	_ =	swait.ge [sflag:s16], $0x800  }
0x1c: {  	[sflag:s16] =	ssyncset.done $0x0  }
0x1d: {  	s30 =	simm.s32 $0xFFFFFFF8;
	s0 =	sadd.s32 s29, s7;
	[sflag:s16] =	ssyncadd.s32 $0xFFFFF800  }
0x1e: {  	[tilespmem:s18], [sflag:$0x2] =	stream.strided.gather [hbm4b:s0+s14], $0x800, s15, s14, $0x38;
	[tilespmem:$0x1D700] =	vst v63  }
0x1f: {  	s31 =	simm.s32 $0x18740;
	s28 =	sand.u32 $0xFFFFC000, s28;
	s0 =	simm.s32 $0x19740  }
.LBB2_3:
0x20: {  	v0 =	vld [tilespmem:s31+$0xFFFFFFC0];
	_ =	sdelay $0x7  }
0x21: {  	v0 =	vld.idx.msk [tilespmem:v0+s3+$0x0], $0xffff;
	_ =	sdelay $0x4  }
0x22: {  	[tilespmem:s0+$0xFFFFFFC0] =	vst v0  }
0x23: {  	v0 =	vld [tilespmem:s31+$0xFFFFFFD0];
	_ =	sdelay $0x7  }
0x24: {  	v0 =	vld.idx.msk [tilespmem:v0+s3+$0x0], $0xffff;
	_ =	sdelay $0x4  }
0x25: {  	[tilespmem:s0+$0xFFFFFFD0] =	vst v0  }
0x26: {  	v0 =	vld [tilespmem:s31+$0xFFFFFFE0];
	_ =	sdelay $0x7  }
0x27: {  	v0 =	vld.idx.msk [tilespmem:v0+s3+$0x0], $0xffff;
	_ =	sdelay $0x4  }
0x28: {  	[tilespmem:s0+$0xFFFFFFE0] =	vst v0  }
0x29: {  	v0 =	vld [tilespmem:s31+$0xFFFFFFF0];
	_ =	sdelay $0x7  }
0x2a: {  	v0 =	vld.idx.msk [tilespmem:v0+s3+$0x0], $0xffff;
	_ =	sdelay $0x4  }
0x2b: {  	[tilespmem:s0+$0xFFFFFFF0] =	vst v0  }
0x2c: {  	v0 =	vld [tilespmem:s31+$0x0];
	_ =	sdelay $0x7  }
0x2d: {  	v0 =	vld.idx.msk [tilespmem:v0+s3+$0x0], $0xffff;
	_ =	sdelay $0x4  }
0x2e: {  	[tilespmem:s0+$0x0] =	vst v0  }
0x2f: {  	v0 =	vld [tilespmem:s31+$0x10];
	_ =	sdelay $0x7  }
0x30: {  	v0 =	vld.idx.msk [tilespmem:v0+s3+$0x0], $0xffff;
	_ =	sdelay $0x4  }
0x31: {  	[tilespmem:s0+$0x10] =	vst v0  }
0x32: {  	v0 =	vld [tilespmem:s31+$0x20];
	_ =	sdelay $0x7  }
0x33: {  	v0 =	vld.idx.msk [tilespmem:v0+s3+$0x0], $0xffff;
	_ =	sdelay $0x4  }
0x34: {  	[tilespmem:s0+$0x20] =	vst v0  }
0x35: {  	v0 =	vld [tilespmem:s31+$0x30];
	_ =	sdelay $0x6  }
0x36: {  	s30 =	sadd.s32 $0x8, s30  }
0x37: {  	p0 =	slt.u32 s30, $0x78;
	v0 =	vld.idx.msk [tilespmem:v0+s3+$0x0], $0xffff  }
.Ltmp0:
0x38: {  	_ = 	snop;
	(pc) =	sbr.rel @p0 .LBB2_3-.Ltmp0, $2  }
0x39: {  	_ =	sdelay $0x2  }
0x3a: {  	s31 =	sadd.s32 $0x80, s31;
	[tilespmem:s0+$0x30] =	vst v0;
	s0 =	sadd.s32 $0x80, s0  }
0x3b: {  	_ =	swait.ge [sflag:s19], $0x800  }
0x3c: {  	[sflag:s19] =	ssyncset.done $0x0  }
0x3d: {  	s0 =	sadd.s32 s29, s8;
	[sflag:s19] =	ssyncadd.s32 $0xFFFFF800  }
0x3e: {  	[tilespmem:s17], [sflag:$0x2] =	stream.strided.gather [hbm4b:s0+s14], $0x800, s15, s14, $0x38;
	[tilespmem:$0x1D700] =	vst v63  }
0x3f: {  	s30 =	simm.s32 $0xFFFFFFF8;
	s31 =	simm.s32 $0x18F40;
	s0 =	simm.s32 $0x19F70  }
.LBB2_5:
0x40: {  	v0 =	vld [tilespmem:s31+$0xFFFFFFC0];
	_ =	sdelay $0x7  }
0x41: {  	v0 =	vld.idx.msk [tilespmem:v0+s3+$0x0], $0xffff;
	_ =	sdelay $0x4  }
0x42: {  	[tilespmem:s0+$0xFFFFFF90] =	vst v0  }
0x43: {  	v0 =	vld [tilespmem:s31+$0xFFFFFFD0];
	_ =	sdelay $0x7  }
0x44: {  	v0 =	vld.idx.msk [tilespmem:v0+s3+$0x0], $0xffff;
	_ =	sdelay $0x4  }
0x45: {  	[tilespmem:s0+$0xFFFFFFA0] =	vst v0  }
0x46: {  	v0 =	vld [tilespmem:s31+$0xFFFFFFE0];
	_ =	sdelay $0x7  }
0x47: {  	v0 =	vld.idx.msk [tilespmem:v0+s3+$0x0], $0xffff;
	_ =	sdelay $0x4  }
0x48: {  	[tilespmem:s0+$0xFFFFFFB0] =	vst v0  }
0x49: {  	v0 =	vld [tilespmem:s31+$0xFFFFFFF0];
	_ =	sdelay $0x7  }
0x4a: {  	v0 =	vld.idx.msk [tilespmem:v0+s3+$0x0], $0xffff;
	_ =	sdelay $0x4  }
0x4b: {  	[tilespmem:s0+$0xFFFFFFC0] =	vst v0  }
0x4c: {  	v0 =	vld [tilespmem:s31+$0x0];
	_ =	sdelay $0x7  }
0x4d: {  	v0 =	vld.idx.msk [tilespmem:v0+s3+$0x0], $0xffff;
	_ =	sdelay $0x4  }
0x4e: {  	[tilespmem:s0+$0xFFFFFFD0] =	vst v0  }
0x4f: {  	v0 =	vld [tilespmem:s31+$0x10];
	_ =	sdelay $0x7  }
0x50: {  	v0 =	vld.idx.msk [tilespmem:v0+s3+$0x0], $0xffff;
	_ =	sdelay $0x4  }
0x51: {  	[tilespmem:s0+$0xFFFFFFE0] =	vst v0  }
0x52: {  	v0 =	vld [tilespmem:s31+$0x20];
	_ =	sdelay $0x7  }
0x53: {  	v0 =	vld.idx.msk [tilespmem:v0+s3+$0x0], $0xffff;
	_ =	sdelay $0x4  }
0x54: {  	[tilespmem:s0+$0xFFFFFFF0] =	vst v0  }
0x55: {  	v0 =	vld [tilespmem:s31+$0x30];
	_ =	sdelay $0x6  }
0x56: {  	s30 =	sadd.s32 $0x8, s30  }
0x57: {  	p0 =	slt.u32 s30, $0x78;
	v0 =	vld.idx.msk [tilespmem:v0+s3+$0x0], $0xffff  }
.Ltmp1:
0x58: {  	_ = 	snop;
	(pc) =	sbr.rel @p0 .LBB2_5-.Ltmp1, $2  }
0x59: {  	_ =	sdelay $0x2  }
0x5a: {  	s31 =	sadd.s32 $0x80, s31;
	[tilespmem:s0+$0x0] =	vst v0;
	s0 =	sadd.s32 $0x80, s0  }
0x5b: {  	_ =	swait.ge [sflag:s19], $0x800  }
0x5c: {  	[sflag:s19] =	ssyncset.done $0x0  }
0x5d: {  	s0 =	sadd.s32 s29, s9;
	[sflag:s19] =	ssyncadd.s32 $0xFFFFF800  }
0x5e: {  	[tilespmem:s18], [sflag:$0x2] =	stream.strided.gather [hbm4b:s0+s14], $0x800, s15, s14, $0x38;
	[tilespmem:$0x1D700] =	vst v63  }
0x5f: {  	s30 =	simm.s32 $0xFFFFFFF8;
	s31 =	simm.s32 $0x18740;
	s0 =	simm.s32 $0x1A770  }
.LBB2_7:
0x60: {  	v0 =	vld [tilespmem:s31+$0xFFFFFFC0];
	_ =	sdelay $0x7  }
0x61: {  	v0 =	vld.idx.msk [tilespmem:v0+s3+$0x0], $0xffff;
	_ =	sdelay $0x4  }
0x62: {  	[tilespmem:s0+$0xFFFFFF90] =	vst v0  }
0x63: {  	v0 =	vld [tilespmem:s31+$0xFFFFFFD0];
	_ =	sdelay $0x7  }
0x64: {  	v0 =	vld.idx.msk [tilespmem:v0+s3+$0x0], $0xffff;
	_ =	sdelay $0x4  }
0x65: {  	[tilespmem:s0+$0xFFFFFFA0] =	vst v0  }
0x66: {  	v0 =	vld [tilespmem:s31+$0xFFFFFFE0];
	_ =	sdelay $0x7  }
0x67: {  	v0 =	vld.idx.msk [tilespmem:v0+s3+$0x0], $0xffff;
	_ =	sdelay $0x4  }
0x68: {  	[tilespmem:s0+$0xFFFFFFB0] =	vst v0  }
0x69: {  	v0 =	vld [tilespmem:s31+$0xFFFFFFF0];
	_ =	sdelay $0x7  }
0x6a: {  	v0 =	vld.idx.msk [tilespmem:v0+s3+$0x0], $0xffff;
	_ =	sdelay $0x4  }
0x6b: {  	[tilespmem:s0+$0xFFFFFFC0] =	vst v0  }
0x6c: {  	v0 =	vld [tilespmem:s31+$0x0];
	_ =	sdelay $0x7  }
0x6d: {  	v0 =	vld.idx.msk [tilespmem:v0+s3+$0x0], $0xffff;
	_ =	sdelay $0x4  }
0x6e: {  	[tilespmem:s0+$0xFFFFFFD0] =	vst v0  }
0x6f: {  	v0 =	vld [tilespmem:s31+$0x10];
	_ =	sdelay $0x7  }
0x70: {  	v0 =	vld.idx.msk [tilespmem:v0+s3+$0x0], $0xffff;
	_ =	sdelay $0x4  }
0x71: {  	[tilespmem:s0+$0xFFFFFFE0] =	vst v0  }
0x72: {  	v0 =	vld [tilespmem:s31+$0x20];
	_ =	sdelay $0x7  }
0x73: {  	v0 =	vld.idx.msk [tilespmem:v0+s3+$0x0], $0xffff;
	_ =	sdelay $0x4  }
0x74: {  	[tilespmem:s0+$0xFFFFFFF0] =	vst v0  }
0x75: {  	v0 =	vld [tilespmem:s31+$0x30];
	_ =	sdelay $0x6  }
0x76: {  	s30 =	sadd.s32 $0x8, s30  }
0x77: {  	p0 =	slt.u32 s30, $0x78;
	v0 =	vld.idx.msk [tilespmem:v0+s3+$0x0], $0xffff  }
.Ltmp2:
0x78: {  	_ = 	snop;
	(pc) =	sbr.rel @p0 .LBB2_7-.Ltmp2, $2  }
0x79: {  	_ =	sdelay $0x2  }
0x7a: {  	s31 =	sadd.s32 $0x80, s31;
	[tilespmem:s0+$0x0] =	vst v0;
	s0 =	sadd.s32 $0x80, s0  }
0x7b: {  	_ =	swait.ge [sflag:s19], $0x800  }
0x7c: {  	[sflag:s19] =	ssyncset.done $0x0  }
0x7d: {  	s0 =	sadd.s32 s29, s10;
	[sflag:s19] =	ssyncadd.s32 $0xFFFFF800  }
0x7e: {  	[tilespmem:s17], [sflag:$0x2] =	stream.strided.gather [hbm4b:s0+s14], $0x800, s15, s14, $0x38;
	[tilespmem:$0x1D700] =	vst v63  }
0x7f: {  	s30 =	simm.s32 $0xFFFFFFF8;
	s31 =	simm.s32 $0x18F40;
	s0 =	simm.s32 $0x1AF70  }
.LBB2_9:
0x80: {  	v0 =	vld [tilespmem:s31+$0xFFFFFFC0];
	_ =	sdelay $0x7  }
0x81: {  	v0 =	vld.idx.msk [tilespmem:v0+s3+$0x0], $0xffff;
	_ =	sdelay $0x4  }
0x82: {  	[tilespmem:s0+$0xFFFFFF90] =	vst v0  }
0x83: {  	v0 =	vld [tilespmem:s31+$0xFFFFFFD0];
	_ =	sdelay $0x7  }
0x84: {  	v0 =	vld.idx.msk [tilespmem:v0+s3+$0x0], $0xffff;
	_ =	sdelay $0x4  }
0x85: {  	[tilespmem:s0+$0xFFFFFFA0] =	vst v0  }
0x86: {  	v0 =	vld [tilespmem:s31+$0xFFFFFFE0];
	_ =	sdelay $0x7  }
0x87: {  	v0 =	vld.idx.msk [tilespmem:v0+s3+$0x0], $0xffff;
	_ =	sdelay $0x4  }
0x88: {  	[tilespmem:s0+$0xFFFFFFB0] =	vst v0  }
0x89: {  	v0 =	vld [tilespmem:s31+$0xFFFFFFF0];
	_ =	sdelay $0x7  }
0x8a: {  	v0 =	vld.idx.msk [tilespmem:v0+s3+$0x0], $0xffff;
	_ =	sdelay $0x4  }
0x8b: {  	[tilespmem:s0+$0xFFFFFFC0] =	vst v0  }
0x8c: {  	v0 =	vld [tilespmem:s31+$0x0];
	_ =	sdelay $0x7  }
0x8d: {  	v0 =	vld.idx.msk [tilespmem:v0+s3+$0x0], $0xffff;
	_ =	sdelay $0x4  }
0x8e: {  	[tilespmem:s0+$0xFFFFFFD0] =	vst v0  }
0x8f: {  	v0 =	vld [tilespmem:s31+$0x10];
	_ =	sdelay $0x7  }
0x90: {  	v0 =	vld.idx.msk [tilespmem:v0+s3+$0x0], $0xffff;
	_ =	sdelay $0x4  }
0x91: {  	[tilespmem:s0+$0xFFFFFFE0] =	vst v0  }
0x92: {  	v0 =	vld [tilespmem:s31+$0x20];
	_ =	sdelay $0x7  }
0x93: {  	v0 =	vld.idx.msk [tilespmem:v0+s3+$0x0], $0xffff;
	_ =	sdelay $0x4  }
0x94: {  	[tilespmem:s0+$0xFFFFFFF0] =	vst v0  }
0x95: {  	v0 =	vld [tilespmem:s31+$0x30];
	_ =	sdelay $0x6  }
0x96: {  	s30 =	sadd.s32 $0x8, s30  }
0x97: {  	p0 =	slt.u32 s30, $0x78;
	v0 =	vld.idx.msk [tilespmem:v0+s3+$0x0], $0xffff  }
.Ltmp3:
0x98: {  	_ = 	snop;
	(pc) =	sbr.rel @p0 .LBB2_9-.Ltmp3, $2  }
0x99: {  	_ =	sdelay $0x2  }
0x9a: {  	s31 =	sadd.s32 $0x80, s31;
	[tilespmem:s0+$0x0] =	vst v0;
	s0 =	sadd.s32 $0x80, s0  }
0x9b: {  	_ =	swait.ge [sflag:s19], $0x800  }
0x9c: {  	[sflag:s19] =	ssyncset.done $0x0  }
0x9d: {  	s0 =	sadd.s32 s29, s11;
	[sflag:s19] =	ssyncadd.s32 $0xFFFFF800  }
0x9e: {  	[tilespmem:s18], [sflag:$0x2] =	stream.strided.gather [hbm4b:s0+s14], $0x800, s15, s14, $0x38;
	[tilespmem:$0x1D700] =	vst v63  }
0x9f: {  	s30 =	simm.s32 $0xFFFFFFF8;
	s31 =	simm.s32 $0x18740;
	s0 =	simm.s32 $0x1B770  }
.LBB2_11:
0xa0: {  	v0 =	vld [tilespmem:s31+$0xFFFFFFC0];
	_ =	sdelay $0x7  }
0xa1: {  	v0 =	vld.idx.msk [tilespmem:v0+s3+$0x0], $0xffff;
	_ =	sdelay $0x4  }
0xa2: {  	[tilespmem:s0+$0xFFFFFF90] =	vst v0  }
0xa3: {  	v0 =	vld [tilespmem:s31+$0xFFFFFFD0];
	_ =	sdelay $0x7  }
0xa4: {  	v0 =	vld.idx.msk [tilespmem:v0+s3+$0x0], $0xffff;
	_ =	sdelay $0x4  }
0xa5: {  	[tilespmem:s0+$0xFFFFFFA0] =	vst v0  }
0xa6: {  	v0 =	vld [tilespmem:s31+$0xFFFFFFE0];
	_ =	sdelay $0x7  }
0xa7: {  	v0 =	vld.idx.msk [tilespmem:v0+s3+$0x0], $0xffff;
	_ =	sdelay $0x4  }
0xa8: {  	[tilespmem:s0+$0xFFFFFFB0] =	vst v0  }
0xa9: {  	v0 =	vld [tilespmem:s31+$0xFFFFFFF0];
	_ =	sdelay $0x7  }
0xaa: {  	v0 =	vld.idx.msk [tilespmem:v0+s3+$0x0], $0xffff;
	_ =	sdelay $0x4  }
0xab: {  	[tilespmem:s0+$0xFFFFFFC0] =	vst v0  }
0xac: {  	v0 =	vld [tilespmem:s31+$0x0];
	_ =	sdelay $0x7  }
0xad: {  	v0 =	vld.idx.msk [tilespmem:v0+s3+$0x0], $0xffff;
	_ =	sdelay $0x4  }
0xae: {  	[tilespmem:s0+$0xFFFFFFD0] =	vst v0  }
0xaf: {  	v0 =	vld [tilespmem:s31+$0x10];
	_ =	sdelay $0x7  }
0xb0: {  	v0 =	vld.idx.msk [tilespmem:v0+s3+$0x0], $0xffff;
	_ =	sdelay $0x4  }
0xb1: {  	[tilespmem:s0+$0xFFFFFFE0] =	vst v0  }
0xb2: {  	v0 =	vld [tilespmem:s31+$0x20];
	_ =	sdelay $0x7  }
0xb3: {  	v0 =	vld.idx.msk [tilespmem:v0+s3+$0x0], $0xffff;
	_ =	sdelay $0x4  }
0xb4: {  	[tilespmem:s0+$0xFFFFFFF0] =	vst v0  }
0xb5: {  	v0 =	vld [tilespmem:s31+$0x30];
	_ =	sdelay $0x6  }
0xb6: {  	s30 =	sadd.s32 $0x8, s30  }
0xb7: {  	p0 =	slt.u32 s30, $0x78;
	v0 =	vld.idx.msk [tilespmem:v0+s3+$0x0], $0xffff  }
.Ltmp4:
0xb8: {  	_ = 	snop;
	(pc) =	sbr.rel @p0 .LBB2_11-.Ltmp4, $2  }
0xb9: {  	_ =	sdelay $0x2  }
0xba: {  	s31 =	sadd.s32 $0x80, s31;
	[tilespmem:s0+$0x0] =	vst v0;
	s0 =	sadd.s32 $0x80, s0  }
0xbb: {  	_ =	swait.ge [sflag:s19], $0x800  }
0xbc: {  	[sflag:s19] =	ssyncset.done $0x0  }
0xbd: {  	s0 =	sadd.s32 s29, s12;
	[sflag:s19] =	ssyncadd.s32 $0xFFFFF800  }
0xbe: {  	[tilespmem:s17], [sflag:$0x2] =	stream.strided.gather [hbm4b:s0+s14], $0x800, s15, s14, $0x38;
	[tilespmem:$0x1D700] =	vst v63  }
0xbf: {  	s29 =	simm.s32 $0xFFFFFFF8;
	s30 =	simm.s32 $0x18F40;
	s0 =	simm.s32 $0x1BF70  }
.LBB2_13:
0xc0: {  	v0 =	vld [tilespmem:s30+$0xFFFFFFC0];
	_ =	sdelay $0x7  }
0xc1: {  	v0 =	vld.idx.msk [tilespmem:v0+s3+$0x0], $0xffff;
	_ =	sdelay $0x4  }
0xc2: {  	[tilespmem:s0+$0xFFFFFF90] =	vst v0  }
0xc3: {  	v0 =	vld [tilespmem:s30+$0xFFFFFFD0];
	_ =	sdelay $0x7  }
0xc4: {  	v0 =	vld.idx.msk [tilespmem:v0+s3+$0x0], $0xffff;
	_ =	sdelay $0x4  }
0xc5: {  	[tilespmem:s0+$0xFFFFFFA0] =	vst v0  }
0xc6: {  	v0 =	vld [tilespmem:s30+$0xFFFFFFE0];
	_ =	sdelay $0x7  }
0xc7: {  	v0 =	vld.idx.msk [tilespmem:v0+s3+$0x0], $0xffff;
	_ =	sdelay $0x4  }
0xc8: {  	[tilespmem:s0+$0xFFFFFFB0] =	vst v0  }
0xc9: {  	v0 =	vld [tilespmem:s30+$0xFFFFFFF0];
	_ =	sdelay $0x7  }
0xca: {  	v0 =	vld.idx.msk [tilespmem:v0+s3+$0x0], $0xffff;
	_ =	sdelay $0x4  }
0xcb: {  	[tilespmem:s0+$0xFFFFFFC0] =	vst v0  }
0xcc: {  	v0 =	vld [tilespmem:s30+$0x0];
	_ =	sdelay $0x7  }
0xcd: {  	v0 =	vld.idx.msk [tilespmem:v0+s3+$0x0], $0xffff;
	_ =	sdelay $0x4  }
0xce: {  	[tilespmem:s0+$0xFFFFFFD0] =	vst v0  }
0xcf: {  	v0 =	vld [tilespmem:s30+$0x10];
	_ =	sdelay $0x7  }
0xd0: {  	v0 =	vld.idx.msk [tilespmem:v0+s3+$0x0], $0xffff;
	_ =	sdelay $0x4  }
0xd1: {  	[tilespmem:s0+$0xFFFFFFE0] =	vst v0  }
0xd2: {  	v0 =	vld [tilespmem:s30+$0x20];
	_ =	sdelay $0x7  }
0xd3: {  	v0 =	vld.idx.msk [tilespmem:v0+s3+$0x0], $0xffff;
	_ =	sdelay $0x4  }
0xd4: {  	[tilespmem:s0+$0xFFFFFFF0] =	vst v0  }
0xd5: {  	v0 =	vld [tilespmem:s30+$0x30];
	_ =	sdelay $0x6  }
0xd6: {  	s29 =	sadd.s32 $0x8, s29  }
0xd7: {  	p0 =	slt.u32 s29, $0x78;
	v0 =	vld.idx.msk [tilespmem:v0+s3+$0x0], $0xffff  }
.Ltmp5:
0xd8: {  	_ = 	snop;
	(pc) =	sbr.rel @p0 .LBB2_13-.Ltmp5, $2  }
0xd9: {  	_ =	sdelay $0x2  }
0xda: {  	s30 =	sadd.s32 $0x80, s30;
	[tilespmem:s0+$0x0] =	vst v0;
	s0 =	sadd.s32 $0x80, s0  }
0xdb: {  	s0 =	sor.u32 s28, s26  }
0xdc: {  	_ =	swait.ge [sflag:s19], $0x800;
	s0 =	sshrl.u32 s0, $0x3  }
0xdd: {  	[sflag:s19] =	ssyncset.done $0x0;
	s0 =	sor.u32 $0x3800, s0  }
0xde: {  	[sflag:s19] =	ssyncadd.s32 $0xFFFFF800;
	s0 =	sadd.s32 s4, s0  }
0xdf: {  	[tilespmem:s18], [sflag:$0x2] =	stream.strided.gather [hbm4b:s0+s14], $0x800, s15, s14, $0x38;
	[tilespmem:$0x1D700] =	vst v63  }
0xe0: {  	s26 =	simm.s32 $0xFFFFFFF8;
	s28 =	simm.s32 $0x18740;
	s0 =	simm.s32 $0x1C770  }
.LBB2_15:
0xe1: {  	v0 =	vld [tilespmem:s28+$0xFFFFFFC0];
	_ =	sdelay $0x7  }
0xe2: {  	v0 =	vld.idx.msk [tilespmem:v0+s3+$0x0], $0xffff;
	_ =	sdelay $0x4  }
0xe3: {  	[tilespmem:s0+$0xFFFFFF90] =	vst v0  }
0xe4: {  	v0 =	vld [tilespmem:s28+$0xFFFFFFD0];
	_ =	sdelay $0x7  }
0xe5: {  	v0 =	vld.idx.msk [tilespmem:v0+s3+$0x0], $0xffff;
	_ =	sdelay $0x4  }
0xe6: {  	[tilespmem:s0+$0xFFFFFFA0] =	vst v0  }
0xe7: {  	v0 =	vld [tilespmem:s28+$0xFFFFFFE0];
	_ =	sdelay $0x7  }
0xe8: {  	v0 =	vld.idx.msk [tilespmem:v0+s3+$0x0], $0xffff;
	_ =	sdelay $0x4  }
0xe9: {  	[tilespmem:s0+$0xFFFFFFB0] =	vst v0  }
0xea: {  	v0 =	vld [tilespmem:s28+$0xFFFFFFF0];
	_ =	sdelay $0x7  }
0xeb: {  	v0 =	vld.idx.msk [tilespmem:v0+s3+$0x0], $0xffff;
	_ =	sdelay $0x4  }
0xec: {  	[tilespmem:s0+$0xFFFFFFC0] =	vst v0  }
0xed: {  	v0 =	vld [tilespmem:s28+$0x0];
	_ =	sdelay $0x7  }
0xee: {  	v0 =	vld.idx.msk [tilespmem:v0+s3+$0x0], $0xffff;
	_ =	sdelay $0x4  }
0xef: {  	[tilespmem:s0+$0xFFFFFFD0] =	vst v0  }
0xf0: {  	v0 =	vld [tilespmem:s28+$0x10];
	_ =	sdelay $0x7  }
0xf1: {  	v0 =	vld.idx.msk [tilespmem:v0+s3+$0x0], $0xffff;
	_ =	sdelay $0x4  }
0xf2: {  	[tilespmem:s0+$0xFFFFFFE0] =	vst v0  }
0xf3: {  	v0 =	vld [tilespmem:s28+$0x20];
	_ =	sdelay $0x7  }
0xf4: {  	v0 =	vld.idx.msk [tilespmem:v0+s3+$0x0], $0xffff;
	_ =	sdelay $0x4  }
0xf5: {  	[tilespmem:s0+$0xFFFFFFF0] =	vst v0  }
0xf6: {  	v0 =	vld [tilespmem:s28+$0x30];
	_ =	sdelay $0x6  }
0xf7: {  	s26 =	sadd.s32 $0x8, s26  }
0xf8: {  	p0 =	slt.u32 s26, $0x78;
	v0 =	vld.idx.msk [tilespmem:v0+s3+$0x0], $0xffff  }
.Ltmp6:
0xf9: {  	_ = 	snop;
	(pc) =	sbr.rel @p0 .LBB2_15-.Ltmp6, $2  }
0xfa: {  	_ =	sdelay $0x2  }
0xfb: {  	s28 =	sadd.s32 $0x80, s28;
	[tilespmem:s0+$0x0] =	vst v0;
	s0 =	sadd.s32 $0x80, s0  }
0xfc: {  	_ =	swait.ge [sflag:s19], $0x800  }
0xfd: {  	s26 =	simm.s32 $0xFFFFFFF8;
	[sflag:s19] =	ssyncset.done $0x0  }
0xfe: {  	s28 =	simm.s32 $0x18F40;
	s0 =	simm.s32 $0x1CF70;
	[sflag:s19] =	ssyncadd.s32 $0xFFFFF800  }
.LBB2_17:
0xff: {  	v0 =	vld [tilespmem:s28+$0xFFFFFFC0];
	_ =	sdelay $0x7  }
0x100: {  	v0 =	vld.idx.msk [tilespmem:v0+s3+$0x0], $0xffff;
	_ =	sdelay $0x4  }
0x101: {  	[tilespmem:s0+$0xFFFFFF90] =	vst v0  }
0x102: {  	v0 =	vld [tilespmem:s28+$0xFFFFFFD0];
	_ =	sdelay $0x7  }
0x103: {  	v0 =	vld.idx.msk [tilespmem:v0+s3+$0x0], $0xffff;
	_ =	sdelay $0x4  }
0x104: {  	[tilespmem:s0+$0xFFFFFFA0] =	vst v0  }
0x105: {  	v0 =	vld [tilespmem:s28+$0xFFFFFFE0];
	_ =	sdelay $0x7  }
0x106: {  	v0 =	vld.idx.msk [tilespmem:v0+s3+$0x0], $0xffff;
	_ =	sdelay $0x4  }
0x107: {  	[tilespmem:s0+$0xFFFFFFB0] =	vst v0  }
0x108: {  	v0 =	vld [tilespmem:s28+$0xFFFFFFF0];
	_ =	sdelay $0x7  }
0x109: {  	v0 =	vld.idx.msk [tilespmem:v0+s3+$0x0], $0xffff;
	_ =	sdelay $0x4  }
0x10a: {  	[tilespmem:s0+$0xFFFFFFC0] =	vst v0  }
0x10b: {  	v0 =	vld [tilespmem:s28+$0x0];
	_ =	sdelay $0x7  }
0x10c: {  	v0 =	vld.idx.msk [tilespmem:v0+s3+$0x0], $0xffff;
	_ =	sdelay $0x4  }
0x10d: {  	[tilespmem:s0+$0xFFFFFFD0] =	vst v0  }
0x10e: {  	v0 =	vld [tilespmem:s28+$0x10];
	_ =	sdelay $0x7  }
0x10f: {  	v0 =	vld.idx.msk [tilespmem:v0+s3+$0x0], $0xffff;
	_ =	sdelay $0x4  }
0x110: {  	[tilespmem:s0+$0xFFFFFFE0] =	vst v0  }
0x111: {  	v0 =	vld [tilespmem:s28+$0x20];
	_ =	sdelay $0x7  }
0x112: {  	v0 =	vld.idx.msk [tilespmem:v0+s3+$0x0], $0xffff;
	_ =	sdelay $0x4  }
0x113: {  	[tilespmem:s0+$0xFFFFFFF0] =	vst v0  }
0x114: {  	v0 =	vld [tilespmem:s28+$0x30];
	_ =	sdelay $0x6  }
0x115: {  	s26 =	sadd.s32 $0x8, s26  }
0x116: {  	p0 =	slt.u32 s26, $0x78;
	v0 =	vld.idx.msk [tilespmem:v0+s3+$0x0], $0xffff  }
.Ltmp7:
0x117: {  	_ = 	snop;
	(pc) =	sbr.rel @p0 .LBB2_17-.Ltmp7, $2  }
0x118: {  	_ =	sdelay $0x2  }
0x119: {  	s28 =	sadd.s32 $0x80, s28;
	[tilespmem:s0+$0x0] =	vst v0;
	s0 =	sadd.s32 $0x80, s0  }
0x11a: {  	s0 =	sshll.u32 s24, $0x11  }
0x11b: {  	s23 =	sadd.s32 $0x1, s23;
	s0 =	sor.u32 s25, s0  }
0x11c: {  	p0 =	sne.s32 s23, $0xD;
	s0 =	sshrl.u32 s0, $0x3  }
.Ltmp8:
0x11d: {  	s0 =	sadd.s32 s5, s0;
	(pc) =	sbr.rel @p0 .LBB2_2-.Ltmp8, $4  }
0x11e: {  	[hbm4b:s0+s14] =	stream.strided.scatter [tilespmem:s20], [sflag:$0x1], $0x4000, s15, s14, $0x38;
	[tilespmem:$0x1D700] =	vst v63  }
0x11f: {  	_ =	swait.ge [sflag:s21], $0x4000  }
0x120: {  	[sflag:s21] =	ssyncset.done $0x0  }
0x121: {  	[sflag:s21] =	ssyncadd.s32 $0xFFFFC000  }
0x122: {  	s22 =	sadd.s32 $0x1, s22  }
0x123: {  	p0 =	sne.s32 s22, s13  }
.Ltmp9:
0x124: {  	_ = 	snop;
	(pc) =	sbr.rel @p0 .LBB2_1-.Ltmp9, $1  }
0x125: {  	_ =	sdelay $0x3  }
0x126: {  	_ =	sfence.sel $0x180000  }
0x127: {  	[bflag:$0x0] =	sbarrier.arrive $0xFFFF  }
0x128: {  	_ =	strace $0x90000047  }
0x129: {  	[bflag:$0x2] =	sbarrier.arrive $0xFFFF  }
0x12a: {  	p0 =	sne.s32 s2, $0x0;
	s0 =	rddreg [dreg:$0x2]  }
0x12b: {  	s0 =	sadd.s32 @!p0 $0x100000, s0  }
0x12c: {  	[sflag:s0] =	ssyncadd.tile.s32 @!p0 $0x1;
	_ =	shalt  }
.Lfunc_end2:
_tile_overlayer_lowered:
.L_overlay_start_2:
0x12d: {  	(tag) =	ssettag $0x2  }
0x12e: {  	s0 =	rddreg [dreg:$0x0];
	s2 =	stileid.u32  }
0x12f: {  	s1 =	rddreg [dreg:$0x1];
	p0 =	sne.s32 s2, $0x0  }
0x130: {  	s3 =	rddreg [dreg:$0x2];
	[bflag:$0x3] =	sbarrier.arrive $0xFFFF;
	s2 =	simm.s32 @!p0 $0x1C03  }
0x131: {  	[timem:s3], [sflag:s2] =	dma.local @!p0 [hbm:s0], s1  }
0x132: {  	s0 =	simm.s32 @!p0 $0x3  }
0x133: {  	_ =	swait.ge @!p0 [sflag:s0], s1  }
0x134: {  	s1 =	ssub.s32 @!p0 $0x0, s1;
	[sflag:s0] =	ssyncset.done @!p0 $0x0  }
0x135: {  	[sflag:s0] =	ssyncadd.s32 @!p0 s1  }
0x136: {  	[bflag:$0x3] =	sbarrier.arrive $0xFFFF  }
0x137: {  	_ =	shalt  }

</sc_bundles>
